<compile_context>
chip_gen: v7x
topology: tpu7x:2x2x1
jax: 0.10.2.dev20260603
libtpu: 0.0.44.dev20260713+nightly
codegen_flags: <defaults>
</compile_context>

<pallas_src>
import functools
import jax
import jax.numpy as jnp
from jax import lax
from jax.experimental import pallas as pl
from jax.experimental.pallas import tpu as pltpu
from jax.experimental.pallas import tpu_sc as plsc

_K = 15
_INV_TEMP = 10.0
_EPS = 1e-12
_NEG = -3.0e38
_B = 1024
_NW = 32
_RPW = _B // _NW
_NC = 2


def _pool_norm_kernel(x_ref, o_ref):
    x = jnp.mean(x_ref[...], axis=1)
    nrm = jnp.sqrt(jnp.sum(x * x, axis=1, keepdims=True))
    o_ref[...] = x / jnp.maximum(nrm, _EPS)


def _pool_norm(x):
    B, S, D = x.shape
    BR = 32
    return pl.pallas_call(
        _pool_norm_kernel,
        grid=(B // BR,),
        in_specs=[pl.BlockSpec((BR, S, D), lambda i: (i, 0, 0))],
        out_specs=pl.BlockSpec((BR, D), lambda i: (i, 0)),
        out_shape=jax.ShapeDtypeStruct((B, D), jnp.float32),
    )(x)


def _sim_a_kernel(ar_ref, afull_ref, o_ref):
    i = pl.program_id(0)
    rb, b = ar_ref.shape[0], afull_ref.shape[0]
    dn = (((1,), (1,)), ((), ()))
    sim = jax.lax.dot_general(ar_ref[...], afull_ref[...], dn,
                              preferred_element_type=jnp.float32)
    row_ids = i * rb + jax.lax.broadcasted_iota(jnp.int32, (rb, b), 0)
    col_ids = jax.lax.broadcasted_iota(jnp.int32, (rb, b), 1)
    o_ref[...] = jnp.where(row_ids == col_ids, _NEG, sim)


def _sim_a(an):
    B, D = an.shape
    RB = 256
    return pl.pallas_call(
        _sim_a_kernel,
        grid=(B // RB,),
        in_specs=[
            pl.BlockSpec((RB, D), lambda i: (i, 0)),
            pl.BlockSpec((B, D), lambda i: (0, 0)),
        ],
        out_specs=pl.BlockSpec((RB, B), lambda i: (i, 0)),
        out_shape=jax.ShapeDtypeStruct((B, B), jnp.float32),
    )(an, an)


_RI = 8


def _sc_thr_body(sim_hbm, out_hbm, rows_v, thr_v):
    wid = lax.axis_index("s") * _NC + lax.axis_index("c")
    base = wid * _RPW
    lane = lax.iota(jnp.int32, 16)
    lane1 = lane == 1

    pltpu.sync_copy(sim_hbm.at[pl.ds(base, _RPW)], rows_v)

    for b in range(_RPW // _RI):
        def chunk(j, ts):
            new = []
            for r in range(_RI):
                c = jnp.sort(rows_v[b * _RI + r, pl.ds(j * 16, 16)])
                new.append(jnp.sort(jnp.maximum(ts[r], lax.rev(c, (0,)))))
            return tuple(new)

        ts = tuple(jnp.sort(rows_v[b * _RI + r, pl.ds(0, 16)])
                   for r in range(_RI))
        ts = lax.fori_loop(1, _B // 16, chunk, ts)
        for r in range(_RI):
            idx = jnp.full((16,), b * _RI + r, jnp.int32)
            plsc.store_scatter(thr_v, [idx], ts[r], mask=lane1)

    pltpu.sync_copy(thr_v, out_hbm.at[pl.ds(base, _RPW)])


def _sc_thr(sim):
    mesh = plsc.VectorSubcoreMesh(core_axis_name="c", subcore_axis_name="s")
    fn = functools.partial(
        pl.kernel,
        mesh=mesh,
        out_type=jax.ShapeDtypeStruct((_B,), jnp.float32),
        scratch_types=[
            pltpu.VMEM((_RPW, _B), jnp.float32),
            pltpu.VMEM((_RPW,), jnp.float32),
        ],
        compiler_params=pltpu.CompilerParams(needs_layout_passes=False),
    )(_sc_thr_body)
    return fn(sim)


def _loss_kernel(mr_ref, mfull_ref, sa_ref, thr_ref, out_ref):
    i = pl.program_id(0)
    rb, b = mr_ref.shape[0], mfull_ref.shape[0]
    dn = (((1,), (1,)), ((), ()))
    sim_m = jax.lax.dot_general(mr_ref[...], mfull_ref[...], dn,
                                preferred_element_type=jnp.float32) * _INV_TEMP
    row_ids = i * rb + jax.lax.broadcasted_iota(jnp.int32, (rb, b), 0)
    col_ids = jax.lax.broadcasted_iota(jnp.int32, (rb, b), 1)
    is_diag = row_ids == col_ids
    smax = jnp.max(sim_m, axis=1, keepdims=True)
    e = jnp.exp(sim_m - smax)
    e = jnp.where(is_diag, 0.0, e)
    pos = sa_ref[...] >= thr_ref[...]
    pos_sum = jnp.sum(jnp.where(pos, e, 0.0), axis=1) + 1e-8
    all_sum = jnp.sum(e, axis=1) + 1e-8
    contrib = jnp.sum(jnp.log(pos_sum) - jnp.log(all_sum))

    @pl.when(i == 0)
    def _():
        out_ref[...] = jnp.zeros_like(out_ref)

    out_ref[...] += jnp.reshape(-contrib / b, (1, 1))


def kernel(anchor, modality):
    B, S, D = anchor.shape
    an = _pool_norm(anchor)
    sim_a = _sim_a(an)
    mn = _pool_norm(modality)
    thr = _sc_thr(sim_a)

    RB = 256
    loss = pl.pallas_call(
        _loss_kernel,
        grid=(B // RB,),
        in_specs=[
            pl.BlockSpec((RB, D), lambda i: (i, 0)),
            pl.BlockSpec((B, D), lambda i: (0, 0)),
            pl.BlockSpec((RB, B), lambda i: (i, 0)),
            pl.BlockSpec((RB, 1), lambda i: (i, 0)),
        ],
        out_specs=pl.BlockSpec((1, 1), lambda i: (0, 0)),
        out_shape=jax.ShapeDtypeStruct((1, 1), jnp.float32),
    )(mn, mn, sim_a, jnp.reshape(thr, (B, 1)))
    return loss[0, 0]

# --- scband reference (transcript-rebuilt; emitter-appended) ---
"""Pipeline reference for scband-idcl-22454089023551 (READ-ONLY COPY).

The authoritative reference and input builder live on the scoring server;
editing this copy changes nothing except your own understanding.
"""

import jax, jax.numpy as jnp
import numpy as np

K = 15
TEMPERATURE = 0.1


def _l2_normalize(x, eps=1e-12):
    # matches torch F.normalize(p=2, dim=1): x / max(||x||, eps)
    norm = jnp.linalg.norm(x, axis=1, keepdims=True)
    return x / jnp.maximum(norm, eps)


def setup_inputs(seed: int = 0) -> dict:
    key = jax.random.key(seed)
    k1, k2 = jax.random.split(key)
    anchor = jax.random.normal(k1, (1024, 200, 128), dtype=jnp.float32)
    modality = jax.random.normal(k2, (1024, 200, 128), dtype=jnp.float32)
    return {"anchor": anchor, "modality": modality}


def reference(anchor, modality):
    B = anchor.shape[0]
    anchor_n = _l2_normalize(jnp.mean(anchor, axis=1))
    mod_n = _l2_normalize(jnp.mean(modality, axis=1))
    k = min(K, B - 1)

    # Eq. (4): top-K neighbors by cosine sim on modality m (no-grad in torch)
    sim_anchor = anchor_n @ anchor_n.T
    diag = jnp.arange(B)
    sim_anchor = sim_anchor.at[diag, diag].set(-jnp.inf)
    _, knn_idx = jax.lax.top_k(sim_anchor, k)

    # scatter ones into positive mask
    pos_mask = jnp.zeros((B, B), dtype=jnp.float32)
    pos_mask = pos_mask.at[jnp.arange(B)[:, None], knn_idx].set(1.0)

    sim_mod = (mod_n @ mod_n.T) / TEMPERATURE

    # Eq. (5): InfoNCE over KNN positives
    eye_mask = 1.0 - jnp.eye(B, dtype=jnp.float32)
    sim_max = jnp.max(sim_mod, axis=1, keepdims=True)
    exp_sim = jnp.exp(sim_mod - sim_max) * eye_mask
    pos_sum = jnp.sum(exp_sim * pos_mask, axis=1, keepdims=True) + 1e-08
    all_sum = jnp.sum(exp_sim, axis=1, keepdims=True) + 1e-08
    return -jnp.mean(jnp.log(pos_sum) - jnp.log(all_sum))

if __name__ == "__main__":
    import jax
    _d = setup_inputs()
    print(jax.jit(kernel)(*tuple(_d.values())))

</pallas_src>

<mosaic_0001>
#map = affine_map<(d0, d1) -> (0, 0)>
#map1 = affine_map<(d0, d1) -> (0)>
module attributes {stable_mosaic.version = 14 : i64} {
  func.func @_sc_thr_body(%arg0: i32, %arg1: i32, %arg2: memref<1024x1024xf32, #tpu.memory_space<hbm>>, %arg3: memref<1024xf32, #tpu.memory_space<hbm>>, %arg4: memref<32x1024xf32, #tpu.memory_space<vmem>>, %arg5: memref<32xf32, #tpu.memory_space<vmem>>) attributes {dimension_semantics = [#tpu.dimension_semantics<core_parallel>, #tpu.dimension_semantics<subcore_parallel>], iteration_bounds = array<i64: 2, 16>, scalar_prefetch = 0 : i64, scratch_operands = 2 : i64, tpu.core_type = #tpu.core_type<sc_vector_subcore>, window_params = [{transform_indices = #map}, {transform_indices = #map1}]} {
    %mul3A = arith.constant 2 : i32
    %mul3A_0 = arith.muli %arg1, %mul3A : i32
    %add3A = arith.addi %mul3A_0, %arg0 : i32
    %mul3A_1 = arith.constant 32 : i32
    %mul3A_2 = arith.muli %add3A, %mul3A_1 : i32
    %iota3A = tpu.iota {dimensions = array<i32: 0>} : vector<16xi32>
    %eq3A = arith.constant 1 : i32
    %eq3A_3 = vector.broadcast %eq3A : i32 to vector<16xi32>
    %eq3A_4 = arith.cmpi eq, %iota3A, %eq3A_3 : vector<16xi32>
    "tpu.region"() ({
      %run_scoped3A = tpu.sem_alloc : memref<!tpu.dma_semaphore, #tpu.memory_space<semaphore_mem>>
      %dma_start3A = arith.constant 0 : i32
      %dma_start3A_345 = tpu.memref_slice %arg2[%mul3A_2, %dma_start3A] : memref<1024x1024xf32, #tpu.memory_space<hbm>> -> memref<32x1024xf32, #tpu.memory_space<hbm>>
      %dma_start3A_346 = arith.constant 0 : i32
      %dma_start3A_347 = tpu.memref_slice %arg2[%mul3A_2, %dma_start3A_346] : memref<1024x1024xf32, #tpu.memory_space<hbm>> -> memref<32x1024xf32, #tpu.memory_space<hbm>>
      tpu.enqueue_dma source(%dma_start3A_347 : memref<32x1024xf32, #tpu.memory_space<hbm>>) target(%arg4 : memref<32x1024xf32, #tpu.memory_space<vmem>>) target_semaphore(%run_scoped3A : memref<!tpu.dma_semaphore, #tpu.memory_space<semaphore_mem>>)
      %dma_wait3A = arith.constant 0 : i32
      %dma_wait3A_348 = tpu.memref_slice %arg2[%mul3A_2, %dma_wait3A] : memref<1024x1024xf32, #tpu.memory_space<hbm>> -> memref<32x1024xf32, #tpu.memory_space<hbm>>
      %dma_wait3A_349 = arith.constant 0 : i32
      %dma_wait3A_350 = tpu.memref_slice %arg2[%mul3A_2, %dma_wait3A_349] : memref<1024x1024xf32, #tpu.memory_space<hbm>> -> memref<32x1024xf32, #tpu.memory_space<hbm>>
      tpu.wait_dma2 semaphore(%run_scoped3A : memref<!tpu.dma_semaphore, #tpu.memory_space<semaphore_mem>>) src(%dma_wait3A_350 : memref<32x1024xf32, #tpu.memory_space<hbm>>) dst(%arg4 : memref<32x1024xf32, #tpu.memory_space<vmem>>)
      tpu.yield
    }) : () -> ()
    %get3A = arith.constant 0 : i32
    %get3A_5 = arith.index_cast %get3A : i32 to index
    %get3A_6 = arith.constant 0 : index
    %get3A_7 = tpu.vector_load %arg4[%get3A_5, %get3A_6] {strides = array<i32>} : memref<32x1024xf32, #tpu.memory_space<vmem>>, vector<16xf32>,
    %sort3A = arith.constant dense<true> : vector<16xi1>
    %sort3A_8, %sort3A_9, %sort3A_10 = tpu.sort %get3A_7, %get3A_7 masked %sort3A : (vector<16xf32>, vector<16xf32>, vector<16xi1>) -> (vector<16xi1>, vector<16xf32>, vector<16xf32>)
    %get3A_11 = arith.constant 1 : i32
    %get3A_12 = arith.index_cast %get3A_11 : i32 to index
    %get3A_13 = arith.constant 0 : index
    %get3A_14 = tpu.vector_load %arg4[%get3A_12, %get3A_13] {strides = array<i32>} : memref<32x1024xf32, #tpu.memory_space<vmem>>, vector<16xf32>,
    %sort3A_15 = arith.constant dense<true> : vector<16xi1>
    %sort3A_16, %sort3A_17, %sort3A_18 = tpu.sort %get3A_14, %get3A_14 masked %sort3A_15 : (vector<16xf32>, vector<16xf32>, vector<16xi1>) -> (vector<16xi1>, vector<16xf32>, vector<16xf32>)
    %get3A_19 = arith.constant 2 : i32
    %get3A_20 = arith.index_cast %get3A_19 : i32 to index
    %get3A_21 = arith.constant 0 : index
    %get3A_22 = tpu.vector_load %arg4[%get3A_20, %get3A_21] {strides = array<i32>} : memref<32x1024xf32, #tpu.memory_space<vmem>>, vector<16xf32>,
    %sort3A_23 = arith.constant dense<true> : vector<16xi1>
    %sort3A_24, %sort3A_25, %sort3A_26 = tpu.sort %get3A_22, %get3A_22 masked %sort3A_23 : (vector<16xf32>, vector<16xf32>, vector<16xi1>) -> (vector<16xi1>, vector<16xf32>, vector<16xf32>)
    %get3A_27 = arith.constant 3 : i32
    %get3A_28 = arith.index_cast %get3A_27 : i32 to index
    %get3A_29 = arith.constant 0 : index
    %get3A_30 = tpu.vector_load %arg4[%get3A_28, %get3A_29] {strides = array<i32>} : memref<32x1024xf32, #tpu.memory_space<vmem>>, vector<16xf32>,
    %sort3A_31 = arith.constant dense<true> : vector<16xi1>
    %sort3A_32, %sort3A_33, %sort3A_34 = tpu.sort %get3A_30, %get3A_30 masked %sort3A_31 : (vector<16xf32>, vector<16xf32>, vector<16xi1>) -> (vector<16xi1>, vector<16xf32>, vector<16xf32>)
    %get3A_35 = arith.constant 4 : i32
    %get3A_36 = arith.index_cast %get3A_35 : i32 to index
    %get3A_37 = arith.constant 0 : index
    %get3A_38 = tpu.vector_load %arg4[%get3A_36, %get3A_37] {strides = array<i32>} : memref<32x1024xf32, #tpu.memory_space<vmem>>, vector<16xf32>,
    %sort3A_39 = arith.constant dense<true> : vector<16xi1>
    %sort3A_40, %sort3A_41, %sort3A_42 = tpu.sort %get3A_38, %get3A_38 masked %sort3A_39 : (vector<16xf32>, vector<16xf32>, vector<16xi1>) -> (vector<16xi1>, vector<16xf32>, vector<16xf32>)
    %get3A_43 = arith.constant 5 : i32
    %get3A_44 = arith.index_cast %get3A_43 : i32 to index
    %get3A_45 = arith.constant 0 : index
    %get3A_46 = tpu.vector_load %arg4[%get3A_44, %get3A_45] {strides = array<i32>} : memref<32x1024xf32, #tpu.memory_space<vmem>>, vector<16xf32>,
    %sort3A_47 = arith.constant dense<true> : vector<16xi1>
    %sort3A_48, %sort3A_49, %sort3A_50 = tpu.sort %get3A_46, %get3A_46 masked %sort3A_47 : (vector<16xf32>, vector<16xf32>, vector<16xi1>) -> (vector<16xi1>, vector<16xf32>, vector<16xf32>)
    %get3A_51 = arith.constant 6 : i32
    %get3A_52 = arith.index_cast %get3A_51 : i32 to index
    %get3A_53 = arith.constant 0 : index
    %get3A_54 = tpu.vector_load %arg4[%get3A_52, %get3A_53] {strides = array<i32>} : memref<32x1024xf32, #tpu.memory_space<vmem>>, vector<16xf32>,
    %sort3A_55 = arith.constant dense<true> : vector<16xi1>
    %sort3A_56, %sort3A_57, %sort3A_58 = tpu.sort %get3A_54, %get3A_54 masked %sort3A_55 : (vector<16xf32>, vector<16xf32>, vector<16xi1>) -> (vector<16xi1>, vector<16xf32>, vector<16xf32>)
    %get3A_59 = arith.constant 7 : i32
    %get3A_60 = arith.index_cast %get3A_59 : i32 to index
    %get3A_61 = arith.constant 0 : index
    %get3A_62 = tpu.vector_load %arg4[%get3A_60, %get3A_61] {strides = array<i32>} : memref<32x1024xf32, #tpu.memory_space<vmem>>, vector<16xf32>,
    %sort3A_63 = arith.constant dense<true> : vector<16xi1>
    %sort3A_64, %sort3A_65, %sort3A_66 = tpu.sort %get3A_62, %get3A_62 masked %sort3A_63 : (vector<16xf32>, vector<16xf32>, vector<16xi1>) -> (vector<16xi1>, vector<16xf32>, vector<16xf32>)
    %scan3A = arith.constant 1 : i32
    %scan3A_67 = arith.constant 63 : i32
    %scan3A_68 = arith.addi %scan3A, %scan3A_67 : i32
    %scan3A_69 = arith.constant 1 : i32
    %scan3A_70:8 = scf.for %scan3A_345 = %scan3A to %scan3A_68 step %scan3A_69 iter_args(%scan3A_346 = %sort3A_9, %scan3A_347 = %sort3A_17, %scan3A_348 = %sort3A_25, %scan3A_349 = %sort3A_33, %scan3A_350 = %sort3A_41, %scan3A_351 = %sort3A_49, %scan3A_352 = %sort3A_57, %scan3A_353 = %sort3A_65) -> (vector<16xf32>, vector<16xf32>, vector<16xf32>, vector<16xf32>, vector<16xf32>, vector<16xf32>, vector<16xf32>, vector<16xf32>)  : i32 {
      %mul3A_354 = arith.constant 16 : i32
      %mul3A_355 = arith.muli %scan3A_345, %mul3A_354 : i32
      %get3A_356 = arith.constant 0 : i32
      %get3A_357 = arith.index_cast %get3A_356 : i32 to index
      %get3A_358 = arith.index_cast %mul3A_355 : i32 to index
      %get3A_359 = tpu.vector_load %arg4[%get3A_357, %get3A_358] {strides = array<i32>} : memref<32x1024xf32, #tpu.memory_space<vmem>>, vector<16xf32>,
      %sort3A_360 = arith.constant dense<true> : vector<16xi1>
      %sort3A_361, %sort3A_362, %sort3A_363 = tpu.sort %get3A_359, %get3A_359 masked %sort3A_360 : (vector<16xf32>, vector<16xf32>, vector<16xi1>) -> (vector<16xi1>, vector<16xf32>, vector<16xf32>)
      %rev3A = arith.constant 15 : i32
      %rev3A_364 = vector.broadcast %rev3A : i32 to vector<16xi32>
      %rev3A_365 = tpu.iota {dimensions = array<i32: 0>} : vector<16xi32>
      %rev3A_366 = arith.subi %rev3A_364, %rev3A_365 : vector<16xi32>
      %rev3A_367 = tpu.dynamic_gather %sort3A_362[%rev3A_366] in [0] : vector<16xf32>, vector<16xi32> -> vector<16xf32>
      %max3A = arith.maximumf %scan3A_346, %rev3A_367 : vector<16xf32>
      %sort3A_368 = arith.constant dense<true> : vector<16xi1>
      %sort3A_369, %sort3A_370, %sort3A_371 = tpu.sort %max3A, %max3A masked %sort3A_368 : (vector<16xf32>, vector<16xf32>, vector<16xi1>) -> (vector<16xi1>, vector<16xf32>, vector<16xf32>)
      %mul3A_372 = arith.constant 16 : i32
      %mul3A_373 = arith.muli %scan3A_345, %mul3A_372 : i32
      %get3A_374 = arith.constant 1 : i32
      %get3A_375 = arith.index_cast %get3A_374 : i32 to index
      %get3A_376 = arith.index_cast %mul3A_373 : i32 to index
      %get3A_377 = tpu.vector_load %arg4[%get3A_375, %get3A_376] {strides = array<i32>} : memref<32x1024xf32, #tpu.memory_space<vmem>>, vector<16xf32>,
      %sort3A_378 = arith.constant dense<true> : vector<16xi1>
      %sort3A_379, %sort3A_380, %sort3A_381 = tpu.sort %get3A_377, %get3A_377 masked %sort3A_378 : (vector<16xf32>, vector<16xf32>, vector<16xi1>) -> (vector<16xi1>, vector<16xf32>, vector<16xf32>)
      %rev3A_382 = arith.constant 15 : i32
      %rev3A_383 = vector.broadcast %rev3A_382 : i32 to vector<16xi32>
      %rev3A_384 = tpu.iota {dimensions = array<i32: 0>} : vector<16xi32>
      %rev3A_385 = arith.subi %rev3A_383, %rev3A_384 : vector<16xi32>
      %rev3A_386 = tpu.dynamic_gather %sort3A_380[%rev3A_385] in [0] : vector<16xf32>, vector<16xi32> -> vector<16xf32>
      %max3A_387 = arith.maximumf %scan3A_347, %rev3A_386 : vector<16xf32>
      %sort3A_388 = arith.constant dense<true> : vector<16xi1>
      %sort3A_389, %sort3A_390, %sort3A_391 = tpu.sort %max3A_387, %max3A_387 masked %sort3A_388 : (vector<16xf32>, vector<16xf32>, vector<16xi1>) -> (vector<16xi1>, vector<16xf32>, vector<16xf32>)
      %mul3A_392 = arith.constant 16 : i32
      %mul3A_393 = arith.muli %scan3A_345, %mul3A_392 : i32
      %get3A_394 = arith.constant 2 : i32
      %get3A_395 = arith.index_cast %get3A_394 : i32 to index
      %get3A_396 = arith.index_cast %mul3A_393 : i32 to index
      %get3A_397 = tpu.vector_load %arg4[%get3A_395, %get3A_396] {strides = array<i32>} : memref<32x1024xf32, #tpu.memory_space<vmem>>, vector<16xf32>,
      %sort3A_398 = arith.constant dense<true> : vector<16xi1>
      %sort3A_399, %sort3A_400, %sort3A_401 = tpu.sort %get3A_397, %get3A_397 masked %sort3A_398 : (vector<16xf32>, vector<16xf32>, vector<16xi1>) -> (vector<16xi1>, vector<16xf32>, vector<16xf32>)
      %rev3A_402 = arith.constant 15 : i32
      %rev3A_403 = vector.broadcast %rev3A_402 : i32 to vector<16xi32>
      %rev3A_404 = tpu.iota {dimensions = array<i32: 0>} : vector<16xi32>
      %rev3A_405 = arith.subi %rev3A_403, %rev3A_404 : vector<16xi32>
      %rev3A_406 = tpu.dynamic_gather %sort3A_400[%rev3A_405] in [0] : vector<16xf32>, vector<16xi32> -> vector<16xf32>
      %max3A_407 = arith.maximumf %scan3A_348, %rev3A_406 : vector<16xf32>
      %sort3A_408 = arith.constant dense<true> : vector<16xi1>
      %sort3A_409, %sort3A_410, %sort3A_411 = tpu.sort %max3A_407, %max3A_407 masked %sort3A_408 : (vector<16xf32>, vector<16xf32>, vector<16xi1>) -> (vector<16xi1>, vector<16xf32>, vector<16xf32>)
      %mul3A_412 = arith.constant 16 : i32
      %mul3A_413 = arith.muli %scan3A_345, %mul3A_412 : i32
      %get3A_414 = arith.constant 3 : i32
      %get3A_415 = arith.index_cast %get3A_414 : i32 to index
      %get3A_416 = arith.index_cast %mul3A_413 : i32 to index
      %get3A_417 = tpu.vector_load %arg4[%get3A_415, %get3A_416] {strides = array<i32>} : memref<32x1024xf32, #tpu.memory_space<vmem>>, vector<16xf32>,
      %sort3A_418 = arith.constant dense<true> : vector<16xi1>
      %sort3A_419, %sort3A_420, %sort3A_421 = tpu.sort %get3A_417, %get3A_417 masked %sort3A_418 : (vector<16xf32>, vector<16xf32>, vector<16xi1>) -> (vector<16xi1>, vector<16xf32>, vector<16xf32>)
      %rev3A_422 = arith.constant 15 : i32
      %rev3A_423 = vector.broadcast %rev3A_422 : i32 to vector<16xi32>
      %rev3A_424 = tpu.iota {dimensions = array<i32: 0>} : vector<16xi32>
      %rev3A_425 = arith.subi %rev3A_423, %rev3A_424 : vector<16xi32>
      %rev3A_426 = tpu.dynamic_gather %sort3A_420[%rev3A_425] in [0] : vector<16xf32>, vector<16xi32> -> vector<16xf32>
      %max3A_427 = arith.maximumf %scan3A_349, %rev3A_426 : vector<16xf32>
      %sort3A_428 = arith.constant dense<true> : vector<16xi1>
      %sort3A_429, %sort3A_430, %sort3A_431 = tpu.sort %max3A_427, %max3A_427 masked %sort3A_428 : (vector<16xf32>, vector<16xf32>, vector<16xi1>) -> (vector<16xi1>, vector<16xf32>, vector<16xf32>)
      %mul3A_432 = arith.constant 16 : i32
      %mul3A_433 = arith.muli %scan3A_345, %mul3A_432 : i32
      %get3A_434 = arith.constant 4 : i32
      %get3A_435 = arith.index_cast %get3A_434 : i32 to index
      %get3A_436 = arith.index_cast %mul3A_433 : i32 to index
      %get3A_437 = tpu.vector_load %arg4[%get3A_435, %get3A_436] {strides = array<i32>} : memref<32x1024xf32, #tpu.memory_space<vmem>>, vector<16xf32>,
      %sort3A_438 = arith.constant dense<true> : vector<16xi1>
      %sort3A_439, %sort3A_440, %sort3A_441 = tpu.sort %get3A_437, %get3A_437 masked %sort3A_438 : (vector<16xf32>, vector<16xf32>, vector<16xi1>) -> (vector<16xi1>, vector<16xf32>, vector<16xf32>)
      %rev3A_442 = arith.constant 15 : i32
      %rev3A_443 = vector.broadcast %rev3A_442 : i32 to vector<16xi32>
      %rev3A_444 = tpu.iota {dimensions = array<i32: 0>} : vector<16xi32>
      %rev3A_445 = arith.subi %rev3A_443, %rev3A_444 : vector<16xi32>
      %rev3A_446 = tpu.dynamic_gather %sort3A_440[%rev3A_445] in [0] : vector<16xf32>, vector<16xi32> -> vector<16xf32>
      %max3A_447 = arith.maximumf %scan3A_350, %rev3A_446 : vector<16xf32>
      %sort3A_448 = arith.constant dense<true> : vector<16xi1>
      %sort3A_449, %sort3A_450, %sort3A_451 = tpu.sort %max3A_447, %max3A_447 masked %sort3A_448 : (vector<16xf32>, vector<16xf32>, vector<16xi1>) -> (vector<16xi1>, vector<16xf32>, vector<16xf32>)
      %mul3A_452 = arith.constant 16 : i32
      %mul3A_453 = arith.muli %scan3A_345, %mul3A_452 : i32
      %get3A_454 = arith.constant 5 : i32
      %get3A_455 = arith.index_cast %get3A_454 : i32 to index
      %get3A_456 = arith.index_cast %mul3A_453 : i32 to index
      %get3A_457 = tpu.vector_load %arg4[%get3A_455, %get3A_456] {strides = array<i32>} : memref<32x1024xf32, #tpu.memory_space<vmem>>, vector<16xf32>,
      %sort3A_458 = arith.constant dense<true> : vector<16xi1>
      %sort3A_459, %sort3A_460, %sort3A_461 = tpu.sort %get3A_457, %get3A_457 masked %sort3A_458 : (vector<16xf32>, vector<16xf32>, vector<16xi1>) -> (vector<16xi1>, vector<16xf32>, vector<16xf32>)
      %rev3A_462 = arith.constant 15 : i32
      %rev3A_463 = vector.broadcast %rev3A_462 : i32 to vector<16xi32>
      %rev3A_464 = tpu.iota {dimensions = array<i32: 0>} : vector<16xi32>
      %rev3A_465 = arith.subi %rev3A_463, %rev3A_464 : vector<16xi32>
      %rev3A_466 = tpu.dynamic_gather %sort3A_460[%rev3A_465] in [0] : vector<16xf32>, vector<16xi32> -> vector<16xf32>
      %max3A_467 = arith.maximumf %scan3A_351, %rev3A_466 : vector<16xf32>
      %sort3A_468 = arith.constant dense<true> : vector<16xi1>
      %sort3A_469, %sort3A_470, %sort3A_471 = tpu.sort %max3A_467, %max3A_467 masked %sort3A_468 : (vector<16xf32>, vector<16xf32>, vector<16xi1>) -> (vector<16xi1>, vector<16xf32>, vector<16xf32>)
      %mul3A_472 = arith.constant 16 : i32
      %mul3A_473 = arith.muli %scan3A_345, %mul3A_472 : i32
      %get3A_474 = arith.constant 6 : i32
      %get3A_475 = arith.index_cast %get3A_474 : i32 to index
      %get3A_476 = arith.index_cast %mul3A_473 : i32 to index
      %get3A_477 = tpu.vector_load %arg4[%get3A_475, %get3A_476] {strides = array<i32>} : memref<32x1024xf32, #tpu.memory_space<vmem>>, vector<16xf32>,
      %sort3A_478 = arith.constant dense<true> : vector<16xi1>
      %sort3A_479, %sort3A_480, %sort3A_481 = tpu.sort %get3A_477, %get3A_477 masked %sort3A_478 : (vector<16xf32>, vector<16xf32>, vector<16xi1>) -> (vector<16xi1>, vector<16xf32>, vector<16xf32>)
      %rev3A_482 = arith.constant 15 : i32
      %rev3A_483 = vector.broadcast %rev3A_482 : i32 to vector<16xi32>
      %rev3A_484 = tpu.iota {dimensions = array<i32: 0>} : vector<16xi32>
      %rev3A_485 = arith.subi %rev3A_483, %rev3A_484 : vector<16xi32>
      %rev3A_486 = tpu.dynamic_gather %sort3A_480[%rev3A_485] in [0] : vector<16xf32>, vector<16xi32> -> vector<16xf32>
      %max3A_487 = arith.maximumf %scan3A_352, %rev3A_486 : vector<16xf32>
      %sort3A_488 = arith.constant dense<true> : vector<16xi1>
      %sort3A_489, %sort3A_490, %sort3A_491 = tpu.sort %max3A_487, %max3A_487 masked %sort3A_488 : (vector<16xf32>, vector<16xf32>, vector<16xi1>) -> (vector<16xi1>, vector<16xf32>, vector<16xf32>)
      %mul3A_492 = arith.constant 16 : i32
      %mul3A_493 = arith.muli %scan3A_345, %mul3A_492 : i32
      %get3A_494 = arith.constant 7 : i32
      %get3A_495 = arith.index_cast %get3A_494 : i32 to index
      %get3A_496 = arith.index_cast %mul3A_493 : i32 to index
      %get3A_497 = tpu.vector_load %arg4[%get3A_495, %get3A_496] {strides = array<i32>} : memref<32x1024xf32, #tpu.memory_space<vmem>>, vector<16xf32>,
      %sort3A_498 = arith.constant dense<true> : vector<16xi1>
      %sort3A_499, %sort3A_500, %sort3A_501 = tpu.sort %get3A_497, %get3A_497 masked %sort3A_498 : (vector<16xf32>, vector<16xf32>, vector<16xi1>) -> (vector<16xi1>, vector<16xf32>, vector<16xf32>)
      %rev3A_502 = arith.constant 15 : i32
      %rev3A_503 = vector.broadcast %rev3A_502 : i32 to vector<16xi32>
      %rev3A_504 = tpu.iota {dimensions = array<i32: 0>} : vector<16xi32>
      %rev3A_505 = arith.subi %rev3A_503, %rev3A_504 : vector<16xi32>
      %rev3A_506 = tpu.dynamic_gather %sort3A_500[%rev3A_505] in [0] : vector<16xf32>, vector<16xi32> -> vector<16xf32>
      %max3A_507 = arith.maximumf %scan3A_353, %rev3A_506 : vector<16xf32>
      %sort3A_508 = arith.constant dense<true> : vector<16xi1>
      %sort3A_509, %sort3A_510, %sort3A_511 = tpu.sort %max3A_507, %max3A_507 masked %sort3A_508 : (vector<16xf32>, vector<16xf32>, vector<16xi1>) -> (vector<16xi1>, vector<16xf32>, vector<16xf32>)
      scf.yield %sort3A_370, %sort3A_390, %sort3A_410, %sort3A_430, %sort3A_450, %sort3A_470, %sort3A_490, %sort3A_510 : vector<16xf32>, vector<16xf32>, vector<16xf32>, vector<16xf32>, vector<16xf32>, vector<16xf32>, vector<16xf32>, vector<16xf32>
    }
    %scan3A_71 = arith.constant 63 : i32
    %broadcast_in_dim3A = arith.constant 0 : i32
    %broadcast_in_dim3A_72 = vector.broadcast %broadcast_in_dim3A : i32 to vector<16xi32>
    tpu.vector_store_idx %arg5[%broadcast_in_dim3A_72], %scan3A_70#0 masked %eq3A_4 : memref<32xf32, #tpu.memory_space<vmem>>[vector<16xi32>], vector<16xf32>, vector<16xi1>
    %broadcast_in_dim3A_73 = arith.constant 1 : i32
    %broadcast_in_dim3A_74 = vector.broadcast %broadcast_in_dim3A_73 : i32 to vector<16xi32>
    tpu.vector_store_idx %arg5[%broadcast_in_dim3A_74], %scan3A_70#1 masked %eq3A_4 : memref<32xf32, #tpu.memory_space<vmem>>[vector<16xi32>], vector<16xf32>, vector<16xi1>
    %broadcast_in_dim3A_75 = arith.constant 2 : i32
    %broadcast_in_dim3A_76 = vector.broadcast %broadcast_in_dim3A_75 : i32 to vector<16xi32>
    tpu.vector_store_idx %arg5[%broadcast_in_dim3A_76], %scan3A_70#2 masked %eq3A_4 : memref<32xf32, #tpu.memory_space<vmem>>[vector<16xi32>], vector<16xf32>, vector<16xi1>
    %broadcast_in_dim3A_77 = arith.constant 3 : i32
    %broadcast_in_dim3A_78 = vector.broadcast %broadcast_in_dim3A_77 : i32 to vector<16xi32>
    tpu.vector_store_idx %arg5[%broadcast_in_dim3A_78], %scan3A_70#3 masked %eq3A_4 : memref<32xf32, #tpu.memory_space<vmem>>[vector<16xi32>], vector<16xf32>, vector<16xi1>
    %broadcast_in_dim3A_79 = arith.constant 4 : i32
    %broadcast_in_dim3A_80 = vector.broadcast %broadcast_in_dim3A_79 : i32 to vector<16xi32>
    tpu.vector_store_idx %arg5[%broadcast_in_dim3A_80], %scan3A_70#4 masked %eq3A_4 : memref<32xf32, #tpu.memory_space<vmem>>[vector<16xi32>], vector<16xf32>, vector<16xi1>
    %broadcast_in_dim3A_81 = arith.constant 5 : i32
    %broadcast_in_dim3A_82 = vector.broadcast %broadcast_in_dim3A_81 : i32 to vector<16xi32>
    tpu.vector_store_idx %arg5[%broadcast_in_dim3A_82], %scan3A_70#5 masked %eq3A_4 : memref<32xf32, #tpu.memory_space<vmem>>[vector<16xi32>], vector<16xf32>, vector<16xi1>
    %broadcast_in_dim3A_83 = arith.constant 6 : i32
    %broadcast_in_dim3A_84 = vector.broadcast %broadcast_in_dim3A_83 : i32 to vector<16xi32>
    tpu.vector_store_idx %arg5[%broadcast_in_dim3A_84], %scan3A_70#6 masked %eq3A_4 : memref<32xf32, #tpu.memory_space<vmem>>[vector<16xi32>], vector<16xf32>, vector<16xi1>
    %broadcast_in_dim3A_85 = arith.constant 7 : i32
    %broadcast_in_dim3A_86 = vector.broadcast %broadcast_in_dim3A_85 : i32 to vector<16xi32>
    tpu.vector_store_idx %arg5[%broadcast_in_dim3A_86], %scan3A_70#7 masked %eq3A_4 : memref<32xf32, #tpu.memory_space<vmem>>[vector<16xi32>], vector<16xf32>, vector<16xi1>
    %get3A_87 = arith.constant 8 : i32
    %get3A_88 = arith.index_cast %get3A_87 : i32 to index
    %get3A_89 = arith.constant 0 : index
    %get3A_90 = tpu.vector_load %arg4[%get3A_88, %get3A_89] {strides = array<i32>} : memref<32x1024xf32, #tpu.memory_space<vmem>>, vector<16xf32>,
    %sort3A_91 = arith.constant dense<true> : vector<16xi1>
    %sort3A_92, %sort3A_93, %sort3A_94 = tpu.sort %get3A_90, %get3A_90 masked %sort3A_91 : (vector<16xf32>, vector<16xf32>, vector<16xi1>) -> (vector<16xi1>, vector<16xf32>, vector<16xf32>)
    %get3A_95 = arith.constant 9 : i32
    %get3A_96 = arith.index_cast %get3A_95 : i32 to index
    %get3A_97 = arith.constant 0 : index
    %get3A_98 = tpu.vector_load %arg4[%get3A_96, %get3A_97] {strides = array<i32>} : memref<32x1024xf32, #tpu.memory_space<vmem>>, vector<16xf32>,
    %sort3A_99 = arith.constant dense<true> : vector<16xi1>
    %sort3A_100, %sort3A_101, %sort3A_102 = tpu.sort %get3A_98, %get3A_98 masked %sort3A_99 : (vector<16xf32>, vector<16xf32>, vector<16xi1>) -> (vector<16xi1>, vector<16xf32>, vector<16xf32>)
    %get3A_103 = arith.constant 10 : i32
    %get3A_104 = arith.index_cast %get3A_103 : i32 to index
    %get3A_105 = arith.constant 0 : index
    %get3A_106 = tpu.vector_load %arg4[%get3A_104, %get3A_105] {strides = array<i32>} : memref<32x1024xf32, #tpu.memory_space<vmem>>, vector<16xf32>,
    %sort3A_107 = arith.constant dense<true> : vector<16xi1>
    %sort3A_108, %sort3A_109, %sort3A_110 = tpu.sort %get3A_106, %get3A_106 masked %sort3A_107 : (vector<16xf32>, vector<16xf32>, vector<16xi1>) -> (vector<16xi1>, vector<16xf32>, vector<16xf32>)
    %get3A_111 = arith.constant 11 : i32
    %get3A_112 = arith.index_cast %get3A_111 : i32 to index
    %get3A_113 = arith.constant 0 : index
    %get3A_114 = tpu.vector_load %arg4[%get3A_112, %get3A_113] {strides = array<i32>} : memref<32x1024xf32, #tpu.memory_space<vmem>>, vector<16xf32>,
    %sort3A_115 = arith.constant dense<true> : vector<16xi1>
    %sort3A_116, %sort3A_117, %sort3A_118 = tpu.sort %get3A_114, %get3A_114 masked %sort3A_115 : (vector<16xf32>, vector<16xf32>, vector<16xi1>) -> (vector<16xi1>, vector<16xf32>, vector<16xf32>)
    %get3A_119 = arith.constant 12 : i32
    %get3A_120 = arith.index_cast %get3A_119 : i32 to index
    %get3A_121 = arith.constant 0 : index
    %get3A_122 = tpu.vector_load %arg4[%get3A_120, %get3A_121] {strides = array<i32>} : memref<32x1024xf32, #tpu.memory_space<vmem>>, vector<16xf32>,
    %sort3A_123 = arith.constant dense<true> : vector<16xi1>
    %sort3A_124, %sort3A_125, %sort3A_126 = tpu.sort %get3A_122, %get3A_122 masked %sort3A_123 : (vector<16xf32>, vector<16xf32>, vector<16xi1>) -> (vector<16xi1>, vector<16xf32>, vector<16xf32>)
    %get3A_127 = arith.constant 13 : i32
    %get3A_128 = arith.index_cast %get3A_127 : i32 to index
    %get3A_129 = arith.constant 0 : index
    %get3A_130 = tpu.vector_load %arg4[%get3A_128, %get3A_129] {strides = array<i32>} : memref<32x1024xf32, #tpu.memory_space<vmem>>, vector<16xf32>,
    %sort3A_131 = arith.constant dense<true> : vector<16xi1>
    %sort3A_132, %sort3A_133, %sort3A_134 = tpu.sort %get3A_130, %get3A_130 masked %sort3A_131 : (vector<16xf32>, vector<16xf32>, vector<16xi1>) -> (vector<16xi1>, vector<16xf32>, vector<16xf32>)
    %get3A_135 = arith.constant 14 : i32
    %get3A_136 = arith.index_cast %get3A_135 : i32 to index
    %get3A_137 = arith.constant 0 : index
    %get3A_138 = tpu.vector_load %arg4[%get3A_136, %get3A_137] {strides = array<i32>} : memref<32x1024xf32, #tpu.memory_space<vmem>>, vector<16xf32>,
    %sort3A_139 = arith.constant dense<true> : vector<16xi1>
    %sort3A_140, %sort3A_141, %sort3A_142 = tpu.sort %get3A_138, %get3A_138 masked %sort3A_139 : (vector<16xf32>, vector<16xf32>, vector<16xi1>) -> (vector<16xi1>, vector<16xf32>, vector<16xf32>)
    %get3A_143 = arith.constant 15 : i32
    %get3A_144 = arith.index_cast %get3A_143 : i32 to index
    %get3A_145 = arith.constant 0 : index
    %get3A_146 = tpu.vector_load %arg4[%get3A_144, %get3A_145] {strides = array<i32>} : memref<32x1024xf32, #tpu.memory_space<vmem>>, vector<16xf32>,
    %sort3A_147 = arith.constant dense<true> : vector<16xi1>
    %sort3A_148, %sort3A_149, %sort3A_150 = tpu.sort %get3A_146, %get3A_146 masked %sort3A_147 : (vector<16xf32>, vector<16xf32>, vector<16xi1>) -> (vector<16xi1>, vector<16xf32>, vector<16xf32>)
    %scan3A_151 = arith.constant 1 : i32
    %scan3A_152 = arith.constant 63 : i32
    %scan3A_153 = arith.addi %scan3A_151, %scan3A_152 : i32
    %scan3A_154 = arith.constant 1 : i32
    %scan3A_155:8 = scf.for %scan3A_345 = %scan3A_151 to %scan3A_153 step %scan3A_154 iter_args(%scan3A_346 = %sort3A_93, %scan3A_347 = %sort3A_101, %scan3A_348 = %sort3A_109, %scan3A_349 = %sort3A_117, %scan3A_350 = %sort3A_125, %scan3A_351 = %sort3A_133, %scan3A_352 = %sort3A_141, %scan3A_353 = %sort3A_149) -> (vector<16xf32>, vector<16xf32>, vector<16xf32>, vector<16xf32>, vector<16xf32>, vector<16xf32>, vector<16xf32>, vector<16xf32>)  : i32 {
      %mul3A_354 = arith.constant 16 : i32
      %mul3A_355 = arith.muli %scan3A_345, %mul3A_354 : i32
      %get3A_356 = arith.constant 8 : i32
      %get3A_357 = arith.index_cast %get3A_356 : i32 to index
      %get3A_358 = arith.index_cast %mul3A_355 : i32 to index
      %get3A_359 = tpu.vector_load %arg4[%get3A_357, %get3A_358] {strides = array<i32>} : memref<32x1024xf32, #tpu.memory_space<vmem>>, vector<16xf32>,
      %sort3A_360 = arith.constant dense<true> : vector<16xi1>
      %sort3A_361, %sort3A_362, %sort3A_363 = tpu.sort %get3A_359, %get3A_359 masked %sort3A_360 : (vector<16xf32>, vector<16xf32>, vector<16xi1>) -> (vector<16xi1>, vector<16xf32>, vector<16xf32>)
      %rev3A = arith.constant 15 : i32
      %rev3A_364 = vector.broadcast %rev3A : i32 to vector<16xi32>
      %rev3A_365 = tpu.iota {dimensions = array<i32: 0>} : vector<16xi32>
      %rev3A_366 = arith.subi %rev3A_364, %rev3A_365 : vector<16xi32>
      %rev3A_367 = tpu.dynamic_gather %sort3A_362[%rev3A_366] in [0] : vector<16xf32>, vector<16xi32> -> vector<16xf32>
      %max3A = arith.maximumf %scan3A_346, %rev3A_367 : vector<16xf32>
      %sort3A_368 = arith.constant dense<true> : vector<16xi1>
      %sort3A_369, %sort3A_370, %sort3A_371 = tpu.sort %max3A, %max3A masked %sort3A_368 : (vector<16xf32>, vector<16xf32>, vector<16xi1>) -> (vector<16xi1>, vector<16xf32>, vector<16xf32>)
      %mul3A_372 = arith.constant 16 : i32
      %mul3A_373 = arith.muli %scan3A_345, %mul3A_372 : i32
      %get3A_374 = arith.constant 9 : i32
      %get3A_375 = arith.index_cast %get3A_374 : i32 to index
      %get3A_376 = arith.index_cast %mul3A_373 : i32 to index
      %get3A_377 = tpu.vector_load %arg4[%get3A_375, %get3A_376] {strides = array<i32>} : memref<32x1024xf32, #tpu.memory_space<vmem>>, vector<16xf32>,
      %sort3A_378 = arith.constant dense<true> : vector<16xi1>
      %sort3A_379, %sort3A_380, %sort3A_381 = tpu.sort %get3A_377, %get3A_377 masked %sort3A_378 : (vector<16xf32>, vector<16xf32>, vector<16xi1>) -> (vector<16xi1>, vector<16xf32>, vector<16xf32>)
      %rev3A_382 = arith.constant 15 : i32
      %rev3A_383 = vector.broadcast %rev3A_382 : i32 to vector<16xi32>
      %rev3A_384 = tpu.iota {dimensions = array<i32: 0>} : vector<16xi32>
      %rev3A_385 = arith.subi %rev3A_383, %rev3A_384 : vector<16xi32>
      %rev3A_386 = tpu.dynamic_gather %sort3A_380[%rev3A_385] in [0] : vector<16xf32>, vector<16xi32> -> vector<16xf32>
      %max3A_387 = arith.maximumf %scan3A_347, %rev3A_386 : vector<16xf32>
      %sort3A_388 = arith.constant dense<true> : vector<16xi1>
      %sort3A_389, %sort3A_390, %sort3A_391 = tpu.sort %max3A_387, %max3A_387 masked %sort3A_388 : (vector<16xf32>, vector<16xf32>, vector<16xi1>) -> (vector<16xi1>, vector<16xf32>, vector<16xf32>)
      %mul3A_392 = arith.constant 16 : i32
      %mul3A_393 = arith.muli %scan3A_345, %mul3A_392 : i32
      %get3A_394 = arith.constant 10 : i32
      %get3A_395 = arith.index_cast %get3A_394 : i32 to index
      %get3A_396 = arith.index_cast %mul3A_393 : i32 to index
      %get3A_397 = tpu.vector_load %arg4[%get3A_395, %get3A_396] {strides = array<i32>} : memref<32x1024xf32, #tpu.memory_space<vmem>>, vector<16xf32>,
      %sort3A_398 = arith.constant dense<true> : vector<16xi1>
      %sort3A_399, %sort3A_400, %sort3A_401 = tpu.sort %get3A_397, %get3A_397 masked %sort3A_398 : (vector<16xf32>, vector<16xf32>, vector<16xi1>) -> (vector<16xi1>, vector<16xf32>, vector<16xf32>)
      %rev3A_402 = arith.constant 15 : i32
      %rev3A_403 = vector.broadcast %rev3A_402 : i32 to vector<16xi32>
      %rev3A_404 = tpu.iota {dimensions = array<i32: 0>} : vector<16xi32>
      %rev3A_405 = arith.subi %rev3A_403, %rev3A_404 : vector<16xi32>
      %rev3A_406 = tpu.dynamic_gather %sort3A_400[%rev3A_405] in [0] : vector<16xf32>, vector<16xi32> -> vector<16xf32>
      %max3A_407 = arith.maximumf %scan3A_348, %rev3A_406 : vector<16xf32>
      %sort3A_408 = arith.constant dense<true> : vector<16xi1>
      %sort3A_409, %sort3A_410, %sort3A_411 = tpu.sort %max3A_407, %max3A_407 masked %sort3A_408 : (vector<16xf32>, vector<16xf32>, vector<16xi1>) -> (vector<16xi1>, vector<16xf32>, vector<16xf32>)
      %mul3A_412 = arith.constant 16 : i32
      %mul3A_413 = arith.muli %scan3A_345, %mul3A_412 : i32
      %get3A_414 = arith.constant 11 : i32
      %get3A_415 = arith.index_cast %get3A_414 : i32 to index
      %get3A_416 = arith.index_cast %mul3A_413 : i32 to index
      %get3A_417 = tpu.vector_load %arg4[%get3A_415, %get3A_416] {strides = array<i32>} : memref<32x1024xf32, #tpu.memory_space<vmem>>, vector<16xf32>,
      %sort3A_418 = arith.constant dense<true> : vector<16xi1>
      %sort3A_419, %sort3A_420, %sort3A_421 = tpu.sort %get3A_417, %get3A_417 masked %sort3A_418 : (vector<16xf32>, vector<16xf32>, vector<16xi1>) -> (vector<16xi1>, vector<16xf32>, vector<16xf32>)
      %rev3A_422 = arith.constant 15 : i32
      %rev3A_423 = vector.broadcast %rev3A_422 : i32 to vector<16xi32>
      %rev3A_424 = tpu.iota {dimensions = array<i32: 0>} : vector<16xi32>
      %rev3A_425 = arith.subi %rev3A_423, %rev3A_424 : vector<16xi32>
      %rev3A_426 = tpu.dynamic_gather %sort3A_420[%rev3A_425] in [0] : vector<16xf32>, vector<16xi32> -> vector<16xf32>
      %max3A_427 = arith.maximumf %scan3A_349, %rev3A_426 : vector<16xf32>
      %sort3A_428 = arith.constant dense<true> : vector<16xi1>
      %sort3A_429, %sort3A_430, %sort3A_431 = tpu.sort %max3A_427, %max3A_427 masked %sort3A_428 : (vector<16xf32>, vector<16xf32>, vector<16xi1>) -> (vector<16xi1>, vector<16xf32>, vector<16xf32>)
      %mul3A_432 = arith.constant 16 : i32
      %mul3A_433 = arith.muli %scan3A_345, %mul3A_432 : i32
      %get3A_434 = arith.constant 12 : i32
      %get3A_435 = arith.index_cast %get3A_434 : i32 to index
      %get3A_436 = arith.index_cast %mul3A_433 : i32 to index
      %get3A_437 = tpu.vector_load %arg4[%get3A_435, %get3A_436] {strides = array<i32>} : memref<32x1024xf32, #tpu.memory_space<vmem>>, vector<16xf32>,
      %sort3A_438 = arith.constant dense<true> : vector<16xi1>
      %sort3A_439, %sort3A_440, %sort3A_441 = tpu.sort %get3A_437, %get3A_437 masked %sort3A_438 : (vector<16xf32>, vector<16xf32>, vector<16xi1>) -> (vector<16xi1>, vector<16xf32>, vector<16xf32>)
      %rev3A_442 = arith.constant 15 : i32
      %rev3A_443 = vector.broadcast %rev3A_442 : i32 to vector<16xi32>
      %rev3A_444 = tpu.iota {dimensions = array<i32: 0>} : vector<16xi32>
      %rev3A_445 = arith.subi %rev3A_443, %rev3A_444 : vector<16xi32>
      %rev3A_446 = tpu.dynamic_gather %sort3A_440[%rev3A_445] in [0] : vector<16xf32>, vector<16xi32> -> vector<16xf32>
      %max3A_447 = arith.maximumf %scan3A_350, %rev3A_446 : vector<16xf32>
      %sort3A_448 = arith.constant dense<true> : vector<16xi1>
      %sort3A_449, %sort3A_450, %sort3A_451 = tpu.sort %max3A_447, %max3A_447 masked %sort3A_448 : (vector<16xf32>, vector<16xf32>, vector<16xi1>) -> (vector<16xi1>, vector<16xf32>, vector<16xf32>)
      %mul3A_452 = arith.constant 16 : i32
      %mul3A_453 = arith.muli %scan3A_345, %mul3A_452 : i32
      %get3A_454 = arith.constant 13 : i32
      %get3A_455 = arith.index_cast %get3A_454 : i32 to index
      %get3A_456 = arith.index_cast %mul3A_453 : i32 to index
      %get3A_457 = tpu.vector_load %arg4[%get3A_455, %get3A_456] {strides = array<i32>} : memref<32x1024xf32, #tpu.memory_space<vmem>>, vector<16xf32>,
      %sort3A_458 = arith.constant dense<true> : vector<16xi1>
      %sort3A_459, %sort3A_460, %sort3A_461 = tpu.sort %get3A_457, %get3A_457 masked %sort3A_458 : (vector<16xf32>, vector<16xf32>, vector<16xi1>) -> (vector<16xi1>, vector<16xf32>, vector<16xf32>)
      %rev3A_462 = arith.constant 15 : i32
      %rev3A_463 = vector.broadcast %rev3A_462 : i32 to vector<16xi32>
      %rev3A_464 = tpu.iota {dimensions = array<i32: 0>} : vector<16xi32>
      %rev3A_465 = arith.subi %rev3A_463, %rev3A_464 : vector<16xi32>
      %rev3A_466 = tpu.dynamic_gather %sort3A_460[%rev3A_465] in [0] : vector<16xf32>, vector<16xi32> -> vector<16xf32>
      %max3A_467 = arith.maximumf %scan3A_351, %rev3A_466 : vector<16xf32>
      %sort3A_468 = arith.constant dense<true> : vector<16xi1>
      %sort3A_469, %sort3A_470, %sort3A_471 = tpu.sort %max3A_467, %max3A_467 masked %sort3A_468 : (vector<16xf32>, vector<16xf32>, vector<16xi1>) -> (vector<16xi1>, vector<16xf32>, vector<16xf32>)
      %mul3A_472 = arith.constant 16 : i32
      %mul3A_473 = arith.muli %scan3A_345, %mul3A_472 : i32
      %get3A_474 = arith.constant 14 : i32
      %get3A_475 = arith.index_cast %get3A_474 : i32 to index
      %get3A_476 = arith.index_cast %mul3A_473 : i32 to index
      %get3A_477 = tpu.vector_load %arg4[%get3A_475, %get3A_476] {strides = array<i32>} : memref<32x1024xf32, #tpu.memory_space<vmem>>, vector<16xf32>,
      %sort3A_478 = arith.constant dense<true> : vector<16xi1>
      %sort3A_479, %sort3A_480, %sort3A_481 = tpu.sort %get3A_477, %get3A_477 masked %sort3A_478 : (vector<16xf32>, vector<16xf32>, vector<16xi1>) -> (vector<16xi1>, vector<16xf32>, vector<16xf32>)
      %rev3A_482 = arith.constant 15 : i32
      %rev3A_483 = vector.broadcast %rev3A_482 : i32 to vector<16xi32>
      %rev3A_484 = tpu.iota {dimensions = array<i32: 0>} : vector<16xi32>
      %rev3A_485 = arith.subi %rev3A_483, %rev3A_484 : vector<16xi32>
      %rev3A_486 = tpu.dynamic_gather %sort3A_480[%rev3A_485] in [0] : vector<16xf32>, vector<16xi32> -> vector<16xf32>
      %max3A_487 = arith.maximumf %scan3A_352, %rev3A_486 : vector<16xf32>
      %sort3A_488 = arith.constant dense<true> : vector<16xi1>
      %sort3A_489, %sort3A_490, %sort3A_491 = tpu.sort %max3A_487, %max3A_487 masked %sort3A_488 : (vector<16xf32>, vector<16xf32>, vector<16xi1>) -> (vector<16xi1>, vector<16xf32>, vector<16xf32>)
      %mul3A_492 = arith.constant 16 : i32
      %mul3A_493 = arith.muli %scan3A_345, %mul3A_492 : i32
      %get3A_494 = arith.constant 15 : i32
      %get3A_495 = arith.index_cast %get3A_494 : i32 to index
      %get3A_496 = arith.index_cast %mul3A_493 : i32 to index
      %get3A_497 = tpu.vector_load %arg4[%get3A_495, %get3A_496] {strides = array<i32>} : memref<32x1024xf32, #tpu.memory_space<vmem>>, vector<16xf32>,
      %sort3A_498 = arith.constant dense<true> : vector<16xi1>
      %sort3A_499, %sort3A_500, %sort3A_501 = tpu.sort %get3A_497, %get3A_497 masked %sort3A_498 : (vector<16xf32>, vector<16xf32>, vector<16xi1>) -> (vector<16xi1>, vector<16xf32>, vector<16xf32>)
      %rev3A_502 = arith.constant 15 : i32
      %rev3A_503 = vector.broadcast %rev3A_502 : i32 to vector<16xi32>
      %rev3A_504 = tpu.iota {dimensions = array<i32: 0>} : vector<16xi32>
      %rev3A_505 = arith.subi %rev3A_503, %rev3A_504 : vector<16xi32>
      %rev3A_506 = tpu.dynamic_gather %sort3A_500[%rev3A_505] in [0] : vector<16xf32>, vector<16xi32> -> vector<16xf32>
      %max3A_507 = arith.maximumf %scan3A_353, %rev3A_506 : vector<16xf32>
      %sort3A_508 = arith.constant dense<true> : vector<16xi1>
      %sort3A_509, %sort3A_510, %sort3A_511 = tpu.sort %max3A_507, %max3A_507 masked %sort3A_508 : (vector<16xf32>, vector<16xf32>, vector<16xi1>) -> (vector<16xi1>, vector<16xf32>, vector<16xf32>)
      scf.yield %sort3A_370, %sort3A_390, %sort3A_410, %sort3A_430, %sort3A_450, %sort3A_470, %sort3A_490, %sort3A_510 : vector<16xf32>, vector<16xf32>, vector<16xf32>, vector<16xf32>, vector<16xf32>, vector<16xf32>, vector<16xf32>, vector<16xf32>
    }
    %scan3A_156 = arith.constant 63 : i32
    %broadcast_in_dim3A_157 = arith.constant 8 : i32
    %broadcast_in_dim3A_158 = vector.broadcast %broadcast_in_dim3A_157 : i32 to vector<16xi32>
    tpu.vector_store_idx %arg5[%broadcast_in_dim3A_158], %scan3A_155#0 masked %eq3A_4 : memref<32xf32, #tpu.memory_space<vmem>>[vector<16xi32>], vector<16xf32>, vector<16xi1>
    %broadcast_in_dim3A_159 = arith.constant 9 : i32
    %broadcast_in_dim3A_160 = vector.broadcast %broadcast_in_dim3A_159 : i32 to vector<16xi32>
    tpu.vector_store_idx %arg5[%broadcast_in_dim3A_160], %scan3A_155#1 masked %eq3A_4 : memref<32xf32, #tpu.memory_space<vmem>>[vector<16xi32>], vector<16xf32>, vector<16xi1>
    %broadcast_in_dim3A_161 = arith.constant 10 : i32
    %broadcast_in_dim3A_162 = vector.broadcast %broadcast_in_dim3A_161 : i32 to vector<16xi32>
    tpu.vector_store_idx %arg5[%broadcast_in_dim3A_162], %scan3A_155#2 masked %eq3A_4 : memref<32xf32, #tpu.memory_space<vmem>>[vector<16xi32>], vector<16xf32>, vector<16xi1>
    %broadcast_in_dim3A_163 = arith.constant 11 : i32
    %broadcast_in_dim3A_164 = vector.broadcast %broadcast_in_dim3A_163 : i32 to vector<16xi32>
    tpu.vector_store_idx %arg5[%broadcast_in_dim3A_164], %scan3A_155#3 masked %eq3A_4 : memref<32xf32, #tpu.memory_space<vmem>>[vector<16xi32>], vector<16xf32>, vector<16xi1>
    %broadcast_in_dim3A_165 = arith.constant 12 : i32
    %broadcast_in_dim3A_166 = vector.broadcast %broadcast_in_dim3A_165 : i32 to vector<16xi32>
    tpu.vector_store_idx %arg5[%broadcast_in_dim3A_166], %scan3A_155#4 masked %eq3A_4 : memref<32xf32, #tpu.memory_space<vmem>>[vector<16xi32>], vector<16xf32>, vector<16xi1>
    %broadcast_in_dim3A_167 = arith.constant 13 : i32
    %broadcast_in_dim3A_168 = vector.broadcast %broadcast_in_dim3A_167 : i32 to vector<16xi32>
    tpu.vector_store_idx %arg5[%broadcast_in_dim3A_168], %scan3A_155#5 masked %eq3A_4 : memref<32xf32, #tpu.memory_space<vmem>>[vector<16xi32>], vector<16xf32>, vector<16xi1>
    %broadcast_in_dim3A_169 = arith.constant 14 : i32
    %broadcast_in_dim3A_170 = vector.broadcast %broadcast_in_dim3A_169 : i32 to vector<16xi32>
    tpu.vector_store_idx %arg5[%broadcast_in_dim3A_170], %scan3A_155#6 masked %eq3A_4 : memref<32xf32, #tpu.memory_space<vmem>>[vector<16xi32>], vector<16xf32>, vector<16xi1>
    %broadcast_in_dim3A_171 = arith.constant 15 : i32
    %broadcast_in_dim3A_172 = vector.broadcast %broadcast_in_dim3A_171 : i32 to vector<16xi32>
    tpu.vector_store_idx %arg5[%broadcast_in_dim3A_172], %scan3A_155#7 masked %eq3A_4 : memref<32xf32, #tpu.memory_space<vmem>>[vector<16xi32>], vector<16xf32>, vector<16xi1>
    %get3A_173 = arith.constant 16 : i32
    %get3A_174 = arith.index_cast %get3A_173 : i32 to index
    %get3A_175 = arith.constant 0 : index
    %get3A_176 = tpu.vector_load %arg4[%get3A_174, %get3A_175] {strides = array<i32>} : memref<32x1024xf32, #tpu.memory_space<vmem>>, vector<16xf32>,
    %sort3A_177 = arith.constant dense<true> : vector<16xi1>
    %sort3A_178, %sort3A_179, %sort3A_180 = tpu.sort %get3A_176, %get3A_176 masked %sort3A_177 : (vector<16xf32>, vector<16xf32>, vector<16xi1>) -> (vector<16xi1>, vector<16xf32>, vector<16xf32>)
    %get3A_181 = arith.constant 17 : i32
    %get3A_182 = arith.index_cast %get3A_181 : i32 to index
    %get3A_183 = arith.constant 0 : index
    %get3A_184 = tpu.vector_load %arg4[%get3A_182, %get3A_183] {strides = array<i32>} : memref<32x1024xf32, #tpu.memory_space<vmem>>, vector<16xf32>,
    %sort3A_185 = arith.constant dense<true> : vector<16xi1>
    %sort3A_186, %sort3A_187, %sort3A_188 = tpu.sort %get3A_184, %get3A_184 masked %sort3A_185 : (vector<16xf32>, vector<16xf32>, vector<16xi1>) -> (vector<16xi1>, vector<16xf32>, vector<16xf32>)
    %get3A_189 = arith.constant 18 : i32
    %get3A_190 = arith.index_cast %get3A_189 : i32 to index
    %get3A_191 = arith.constant 0 : index
    %get3A_192 = tpu.vector_load %arg4[%get3A_190, %get3A_191] {strides = array<i32>} : memref<32x1024xf32, #tpu.memory_space<vmem>>, vector<16xf32>,
    %sort3A_193 = arith.constant dense<true> : vector<16xi1>
    %sort3A_194, %sort3A_195, %sort3A_196 = tpu.sort %get3A_192, %get3A_192 masked %sort3A_193 : (vector<16xf32>, vector<16xf32>, vector<16xi1>) -> (vector<16xi1>, vector<16xf32>, vector<16xf32>)
    %get3A_197 = arith.constant 19 : i32
    %get3A_198 = arith.index_cast %get3A_197 : i32 to index
    %get3A_199 = arith.constant 0 : index
    %get3A_200 = tpu.vector_load %arg4[%get3A_198, %get3A_199] {strides = array<i32>} : memref<32x1024xf32, #tpu.memory_space<vmem>>, vector<16xf32>,
    %sort3A_201 = arith.constant dense<true> : vector<16xi1>
    %sort3A_202, %sort3A_203, %sort3A_204 = tpu.sort %get3A_200, %get3A_200 masked %sort3A_201 : (vector<16xf32>, vector<16xf32>, vector<16xi1>) -> (vector<16xi1>, vector<16xf32>, vector<16xf32>)
    %get3A_205 = arith.constant 20 : i32
    %get3A_206 = arith.index_cast %get3A_205 : i32 to index
    %get3A_207 = arith.constant 0 : index
    %get3A_208 = tpu.vector_load %arg4[%get3A_206, %get3A_207] {strides = array<i32>} : memref<32x1024xf32, #tpu.memory_space<vmem>>, vector<16xf32>,
    %sort3A_209 = arith.constant dense<true> : vector<16xi1>
    %sort3A_210, %sort3A_211, %sort3A_212 = tpu.sort %get3A_208, %get3A_208 masked %sort3A_209 : (vector<16xf32>, vector<16xf32>, vector<16xi1>) -> (vector<16xi1>, vector<16xf32>, vector<16xf32>)
    %get3A_213 = arith.constant 21 : i32
    %get3A_214 = arith.index_cast %get3A_213 : i32 to index
    %get3A_215 = arith.constant 0 : index
    %get3A_216 = tpu.vector_load %arg4[%get3A_214, %get3A_215] {strides = array<i32>} : memref<32x1024xf32, #tpu.memory_space<vmem>>, vector<16xf32>,
    %sort3A_217 = arith.constant dense<true> : vector<16xi1>
    %sort3A_218, %sort3A_219, %sort3A_220 = tpu.sort %get3A_216, %get3A_216 masked %sort3A_217 : (vector<16xf32>, vector<16xf32>, vector<16xi1>) -> (vector<16xi1>, vector<16xf32>, vector<16xf32>)
    %get3A_221 = arith.constant 22 : i32
    %get3A_222 = arith.index_cast %get3A_221 : i32 to index
    %get3A_223 = arith.constant 0 : index
    %get3A_224 = tpu.vector_load %arg4[%get3A_222, %get3A_223] {strides = array<i32>} : memref<32x1024xf32, #tpu.memory_space<vmem>>, vector<16xf32>,
    %sort3A_225 = arith.constant dense<true> : vector<16xi1>
    %sort3A_226, %sort3A_227, %sort3A_228 = tpu.sort %get3A_224, %get3A_224 masked %sort3A_225 : (vector<16xf32>, vector<16xf32>, vector<16xi1>) -> (vector<16xi1>, vector<16xf32>, vector<16xf32>)
    %get3A_229 = arith.constant 23 : i32
    %get3A_230 = arith.index_cast %get3A_229 : i32 to index
    %get3A_231 = arith.constant 0 : index
    %get3A_232 = tpu.vector_load %arg4[%get3A_230, %get3A_231] {strides = array<i32>} : memref<32x1024xf32, #tpu.memory_space<vmem>>, vector<16xf32>,
    %sort3A_233 = arith.constant dense<true> : vector<16xi1>
    %sort3A_234, %sort3A_235, %sort3A_236 = tpu.sort %get3A_232, %get3A_232 masked %sort3A_233 : (vector<16xf32>, vector<16xf32>, vector<16xi1>) -> (vector<16xi1>, vector<16xf32>, vector<16xf32>)
    %scan3A_237 = arith.constant 1 : i32
    %scan3A_238 = arith.constant 63 : i32
    %scan3A_239 = arith.addi %scan3A_237, %scan3A_238 : i32
    %scan3A_240 = arith.constant 1 : i32
    %scan3A_241:8 = scf.for %scan3A_345 = %scan3A_237 to %scan3A_239 step %scan3A_240 iter_args(%scan3A_346 = %sort3A_179, %scan3A_347 = %sort3A_187, %scan3A_348 = %sort3A_195, %scan3A_349 = %sort3A_203, %scan3A_350 = %sort3A_211, %scan3A_351 = %sort3A_219, %scan3A_352 = %sort3A_227, %scan3A_353 = %sort3A_235) -> (vector<16xf32>, vector<16xf32>, vector<16xf32>, vector<16xf32>, vector<16xf32>, vector<16xf32>, vector<16xf32>, vector<16xf32>)  : i32 {
      %mul3A_354 = arith.constant 16 : i32
      %mul3A_355 = arith.muli %scan3A_345, %mul3A_354 : i32
      %get3A_356 = arith.constant 16 : i32
      %get3A_357 = arith.index_cast %get3A_356 : i32 to index
      %get3A_358 = arith.index_cast %mul3A_355 : i32 to index
      %get3A_359 = tpu.vector_load %arg4[%get3A_357, %get3A_358] {strides = array<i32>} : memref<32x1024xf32, #tpu.memory_space<vmem>>, vector<16xf32>,
      %sort3A_360 = arith.constant dense<true> : vector<16xi1>
      %sort3A_361, %sort3A_362, %sort3A_363 = tpu.sort %get3A_359, %get3A_359 masked %sort3A_360 : (vector<16xf32>, vector<16xf32>, vector<16xi1>) -> (vector<16xi1>, vector<16xf32>, vector<16xf32>)
      %rev3A = arith.constant 15 : i32
      %rev3A_364 = vector.broadcast %rev3A : i32 to vector<16xi32>
      %rev3A_365 = tpu.iota {dimensions = array<i32: 0>} : vector<16xi32>
      %rev3A_366 = arith.subi %rev3A_364, %rev3A_365 : vector<16xi32>
      %rev3A_367 = tpu.dynamic_gather %sort3A_362[%rev3A_366] in [0] : vector<16xf32>, vector<16xi32> -> vector<16xf32>
      %max3A = arith.maximumf %scan3A_346, %rev3A_367 : vector<16xf32>
      %sort3A_368 = arith.constant dense<true> : vector<16xi1>
      %sort3A_369, %sort3A_370, %sort3A_371 = tpu.sort %max3A, %max3A masked %sort3A_368 : (vector<16xf32>, vector<16xf32>, vector<16xi1>) -> (vector<16xi1>, vector<16xf32>, vector<16xf32>)
      %mul3A_372 = arith.constant 16 : i32
      %mul3A_373 = arith.muli %scan3A_345, %mul3A_372 : i32
      %get3A_374 = arith.constant 17 : i32
      %get3A_375 = arith.index_cast %get3A_374 : i32 to index
      %get3A_376 = arith.index_cast %mul3A_373 : i32 to index
      %get3A_377 = tpu.vector_load %arg4[%get3A_375, %get3A_376] {strides = array<i32>} : memref<32x1024xf32, #tpu.memory_space<vmem>>, vector<16xf32>,
      %sort3A_378 = arith.constant dense<true> : vector<16xi1>
      %sort3A_379, %sort3A_380, %sort3A_381 = tpu.sort %get3A_377, %get3A_377 masked %sort3A_378 : (vector<16xf32>, vector<16xf32>, vector<16xi1>) -> (vector<16xi1>, vector<16xf32>, vector<16xf32>)
      %rev3A_382 = arith.constant 15 : i32
      %rev3A_383 = vector.broadcast %rev3A_382 : i32 to vector<16xi32>
      %rev3A_384 = tpu.iota {dimensions = array<i32: 0>} : vector<16xi32>
      %rev3A_385 = arith.subi %rev3A_383, %rev3A_384 : vector<16xi32>
      %rev3A_386 = tpu.dynamic_gather %sort3A_380[%rev3A_385] in [0] : vector<16xf32>, vector<16xi32> -> vector<16xf32>
      %max3A_387 = arith.maximumf %scan3A_347, %rev3A_386 : vector<16xf32>
      %sort3A_388 = arith.constant dense<true> : vector<16xi1>
      %sort3A_389, %sort3A_390, %sort3A_391 = tpu.sort %max3A_387, %max3A_387 masked %sort3A_388 : (vector<16xf32>, vector<16xf32>, vector<16xi1>) -> (vector<16xi1>, vector<16xf32>, vector<16xf32>)
      %mul3A_392 = arith.constant 16 : i32
      %mul3A_393 = arith.muli %scan3A_345, %mul3A_392 : i32
      %get3A_394 = arith.constant 18 : i32
      %get3A_395 = arith.index_cast %get3A_394 : i32 to index
      %get3A_396 = arith.index_cast %mul3A_393 : i32 to index
      %get3A_397 = tpu.vector_load %arg4[%get3A_395, %get3A_396] {strides = array<i32>} : memref<32x1024xf32, #tpu.memory_space<vmem>>, vector<16xf32>,
      %sort3A_398 = arith.constant dense<true> : vector<16xi1>
      %sort3A_399, %sort3A_400, %sort3A_401 = tpu.sort %get3A_397, %get3A_397 masked %sort3A_398 : (vector<16xf32>, vector<16xf32>, vector<16xi1>) -> (vector<16xi1>, vector<16xf32>, vector<16xf32>)
      %rev3A_402 = arith.constant 15 : i32
      %rev3A_403 = vector.broadcast %rev3A_402 : i32 to vector<16xi32>
      %rev3A_404 = tpu.iota {dimensions = array<i32: 0>} : vector<16xi32>
      %rev3A_405 = arith.subi %rev3A_403, %rev3A_404 : vector<16xi32>
      %rev3A_406 = tpu.dynamic_gather %sort3A_400[%rev3A_405] in [0] : vector<16xf32>, vector<16xi32> -> vector<16xf32>
      %max3A_407 = arith.maximumf %scan3A_348, %rev3A_406 : vector<16xf32>
      %sort3A_408 = arith.constant dense<true> : vector<16xi1>
      %sort3A_409, %sort3A_410, %sort3A_411 = tpu.sort %max3A_407, %max3A_407 masked %sort3A_408 : (vector<16xf32>, vector<16xf32>, vector<16xi1>) -> (vector<16xi1>, vector<16xf32>, vector<16xf32>)
      %mul3A_412 = arith.constant 16 : i32
      %mul3A_413 = arith.muli %scan3A_345, %mul3A_412 : i32
      %get3A_414 = arith.constant 19 : i32
      %get3A_415 = arith.index_cast %get3A_414 : i32 to index
      %get3A_416 = arith.index_cast %mul3A_413 : i32 to index
      %get3A_417 = tpu.vector_load %arg4[%get3A_415, %get3A_416] {strides = array<i32>} : memref<32x1024xf32, #tpu.memory_space<vmem>>, vector<16xf32>,
      %sort3A_418 = arith.constant dense<true> : vector<16xi1>
      %sort3A_419, %sort3A_420, %sort3A_421 = tpu.sort %get3A_417, %get3A_417 masked %sort3A_418 : (vector<16xf32>, vector<16xf32>, vector<16xi1>) -> (vector<16xi1>, vector<16xf32>, vector<16xf32>)
      %rev3A_422 = arith.constant 15 : i32
      %rev3A_423 = vector.broadcast %rev3A_422 : i32 to vector<16xi32>
      %rev3A_424 = tpu.iota {dimensions = array<i32: 0>} : vector<16xi32>
      %rev3A_425 = arith.subi %rev3A_423, %rev3A_424 : vector<16xi32>
      %rev3A_426 = tpu.dynamic_gather %sort3A_420[%rev3A_425] in [0] : vector<16xf32>, vector<16xi32> -> vector<16xf32>
      %max3A_427 = arith.maximumf %scan3A_349, %rev3A_426 : vector<16xf32>
      %sort3A_428 = arith.constant dense<true> : vector<16xi1>
      %sort3A_429, %sort3A_430, %sort3A_431 = tpu.sort %max3A_427, %max3A_427 masked %sort3A_428 : (vector<16xf32>, vector<16xf32>, vector<16xi1>) -> (vector<16xi1>, vector<16xf32>, vector<16xf32>)
      %mul3A_432 = arith.constant 16 : i32
      %mul3A_433 = arith.muli %scan3A_345, %mul3A_432 : i32
      %get3A_434 = arith.constant 20 : i32
      %get3A_435 = arith.index_cast %get3A_434 : i32 to index
      %get3A_436 = arith.index_cast %mul3A_433 : i32 to index
      %get3A_437 = tpu.vector_load %arg4[%get3A_435, %get3A_436] {strides = array<i32>} : memref<32x1024xf32, #tpu.memory_space<vmem>>, vector<16xf32>,
      %sort3A_438 = arith.constant dense<true> : vector<16xi1>
      %sort3A_439, %sort3A_440, %sort3A_441 = tpu.sort %get3A_437, %get3A_437 masked %sort3A_438 : (vector<16xf32>, vector<16xf32>, vector<16xi1>) -> (vector<16xi1>, vector<16xf32>, vector<16xf32>)
      %rev3A_442 = arith.constant 15 : i32
      %rev3A_443 = vector.broadcast %rev3A_442 : i32 to vector<16xi32>
      %rev3A_444 = tpu.iota {dimensions = array<i32: 0>} : vector<16xi32>
      %rev3A_445 = arith.subi %rev3A_443, %rev3A_444 : vector<16xi32>
      %rev3A_446 = tpu.dynamic_gather %sort3A_440[%rev3A_445] in [0] : vector<16xf32>, vector<16xi32> -> vector<16xf32>
      %max3A_447 = arith.maximumf %scan3A_350, %rev3A_446 : vector<16xf32>
      %sort3A_448 = arith.constant dense<true> : vector<16xi1>
      %sort3A_449, %sort3A_450, %sort3A_451 = tpu.sort %max3A_447, %max3A_447 masked %sort3A_448 : (vector<16xf32>, vector<16xf32>, vector<16xi1>) -> (vector<16xi1>, vector<16xf32>, vector<16xf32>)
      %mul3A_452 = arith.constant 16 : i32
      %mul3A_453 = arith.muli %scan3A_345, %mul3A_452 : i32
      %get3A_454 = arith.constant 21 : i32
      %get3A_455 = arith.index_cast %get3A_454 : i32 to index
      %get3A_456 = arith.index_cast %mul3A_453 : i32 to index
      %get3A_457 = tpu.vector_load %arg4[%get3A_455, %get3A_456] {strides = array<i32>} : memref<32x1024xf32, #tpu.memory_space<vmem>>, vector<16xf32>,
      %sort3A_458 = arith.constant dense<true> : vector<16xi1>
      %sort3A_459, %sort3A_460, %sort3A_461 = tpu.sort %get3A_457, %get3A_457 masked %sort3A_458 : (vector<16xf32>, vector<16xf32>, vector<16xi1>) -> (vector<16xi1>, vector<16xf32>, vector<16xf32>)
      %rev3A_462 = arith.constant 15 : i32
      %rev3A_463 = vector.broadcast %rev3A_462 : i32 to vector<16xi32>
      %rev3A_464 = tpu.iota {dimensions = array<i32: 0>} : vector<16xi32>
      %rev3A_465 = arith.subi %rev3A_463, %rev3A_464 : vector<16xi32>
      %rev3A_466 = tpu.dynamic_gather %sort3A_460[%rev3A_465] in [0] : vector<16xf32>, vector<16xi32> -> vector<16xf32>
      %max3A_467 = arith.maximumf %scan3A_351, %rev3A_466 : vector<16xf32>
      %sort3A_468 = arith.constant dense<true> : vector<16xi1>
      %sort3A_469, %sort3A_470, %sort3A_471 = tpu.sort %max3A_467, %max3A_467 masked %sort3A_468 : (vector<16xf32>, vector<16xf32>, vector<16xi1>) -> (vector<16xi1>, vector<16xf32>, vector<16xf32>)
      %mul3A_472 = arith.constant 16 : i32
      %mul3A_473 = arith.muli %scan3A_345, %mul3A_472 : i32
      %get3A_474 = arith.constant 22 : i32
      %get3A_475 = arith.index_cast %get3A_474 : i32 to index
      %get3A_476 = arith.index_cast %mul3A_473 : i32 to index
      %get3A_477 = tpu.vector_load %arg4[%get3A_475, %get3A_476] {strides = array<i32>} : memref<32x1024xf32, #tpu.memory_space<vmem>>, vector<16xf32>,
      %sort3A_478 = arith.constant dense<true> : vector<16xi1>
      %sort3A_479, %sort3A_480, %sort3A_481 = tpu.sort %get3A_477, %get3A_477 masked %sort3A_478 : (vector<16xf32>, vector<16xf32>, vector<16xi1>) -> (vector<16xi1>, vector<16xf32>, vector<16xf32>)
      %rev3A_482 = arith.constant 15 : i32
      %rev3A_483 = vector.broadcast %rev3A_482 : i32 to vector<16xi32>
      %rev3A_484 = tpu.iota {dimensions = array<i32: 0>} : vector<16xi32>
      %rev3A_485 = arith.subi %rev3A_483, %rev3A_484 : vector<16xi32>
      %rev3A_486 = tpu.dynamic_gather %sort3A_480[%rev3A_485] in [0] : vector<16xf32>, vector<16xi32> -> vector<16xf32>
      %max3A_487 = arith.maximumf %scan3A_352, %rev3A_486 : vector<16xf32>
      %sort3A_488 = arith.constant dense<true> : vector<16xi1>
      %sort3A_489, %sort3A_490, %sort3A_491 = tpu.sort %max3A_487, %max3A_487 masked %sort3A_488 : (vector<16xf32>, vector<16xf32>, vector<16xi1>) -> (vector<16xi1>, vector<16xf32>, vector<16xf32>)
      %mul3A_492 = arith.constant 16 : i32
      %mul3A_493 = arith.muli %scan3A_345, %mul3A_492 : i32
      %get3A_494 = arith.constant 23 : i32
      %get3A_495 = arith.index_cast %get3A_494 : i32 to index
      %get3A_496 = arith.index_cast %mul3A_493 : i32 to index
      %get3A_497 = tpu.vector_load %arg4[%get3A_495, %get3A_496] {strides = array<i32>} : memref<32x1024xf32, #tpu.memory_space<vmem>>, vector<16xf32>,
      %sort3A_498 = arith.constant dense<true> : vector<16xi1>
      %sort3A_499, %sort3A_500, %sort3A_501 = tpu.sort %get3A_497, %get3A_497 masked %sort3A_498 : (vector<16xf32>, vector<16xf32>, vector<16xi1>) -> (vector<16xi1>, vector<16xf32>, vector<16xf32>)
      %rev3A_502 = arith.constant 15 : i32
      %rev3A_503 = vector.broadcast %rev3A_502 : i32 to vector<16xi32>
      %rev3A_504 = tpu.iota {dimensions = array<i32: 0>} : vector<16xi32>
      %rev3A_505 = arith.subi %rev3A_503, %rev3A_504 : vector<16xi32>
      %rev3A_506 = tpu.dynamic_gather %sort3A_500[%rev3A_505] in [0] : vector<16xf32>, vector<16xi32> -> vector<16xf32>
      %max3A_507 = arith.maximumf %scan3A_353, %rev3A_506 : vector<16xf32>
      %sort3A_508 = arith.constant dense<true> : vector<16xi1>
      %sort3A_509, %sort3A_510, %sort3A_511 = tpu.sort %max3A_507, %max3A_507 masked %sort3A_508 : (vector<16xf32>, vector<16xf32>, vector<16xi1>) -> (vector<16xi1>, vector<16xf32>, vector<16xf32>)
      scf.yield %sort3A_370, %sort3A_390, %sort3A_410, %sort3A_430, %sort3A_450, %sort3A_470, %sort3A_490, %sort3A_510 : vector<16xf32>, vector<16xf32>, vector<16xf32>, vector<16xf32>, vector<16xf32>, vector<16xf32>, vector<16xf32>, vector<16xf32>
    }
    %scan3A_242 = arith.constant 63 : i32
    %broadcast_in_dim3A_243 = arith.constant 16 : i32
    %broadcast_in_dim3A_244 = vector.broadcast %broadcast_in_dim3A_243 : i32 to vector<16xi32>
    tpu.vector_store_idx %arg5[%broadcast_in_dim3A_244], %scan3A_241#0 masked %eq3A_4 : memref<32xf32, #tpu.memory_space<vmem>>[vector<16xi32>], vector<16xf32>, vector<16xi1>
    %broadcast_in_dim3A_245 = arith.constant 17 : i32
    %broadcast_in_dim3A_246 = vector.broadcast %broadcast_in_dim3A_245 : i32 to vector<16xi32>
    tpu.vector_store_idx %arg5[%broadcast_in_dim3A_246], %scan3A_241#1 masked %eq3A_4 : memref<32xf32, #tpu.memory_space<vmem>>[vector<16xi32>], vector<16xf32>, vector<16xi1>
    %broadcast_in_dim3A_247 = arith.constant 18 : i32
    %broadcast_in_dim3A_248 = vector.broadcast %broadcast_in_dim3A_247 : i32 to vector<16xi32>
    tpu.vector_store_idx %arg5[%broadcast_in_dim3A_248], %scan3A_241#2 masked %eq3A_4 : memref<32xf32, #tpu.memory_space<vmem>>[vector<16xi32>], vector<16xf32>, vector<16xi1>
    %broadcast_in_dim3A_249 = arith.constant 19 : i32
    %broadcast_in_dim3A_250 = vector.broadcast %broadcast_in_dim3A_249 : i32 to vector<16xi32>
    tpu.vector_store_idx %arg5[%broadcast_in_dim3A_250], %scan3A_241#3 masked %eq3A_4 : memref<32xf32, #tpu.memory_space<vmem>>[vector<16xi32>], vector<16xf32>, vector<16xi1>
    %broadcast_in_dim3A_251 = arith.constant 20 : i32
    %broadcast_in_dim3A_252 = vector.broadcast %broadcast_in_dim3A_251 : i32 to vector<16xi32>
    tpu.vector_store_idx %arg5[%broadcast_in_dim3A_252], %scan3A_241#4 masked %eq3A_4 : memref<32xf32, #tpu.memory_space<vmem>>[vector<16xi32>], vector<16xf32>, vector<16xi1>
    %broadcast_in_dim3A_253 = arith.constant 21 : i32
    %broadcast_in_dim3A_254 = vector.broadcast %broadcast_in_dim3A_253 : i32 to vector<16xi32>
    tpu.vector_store_idx %arg5[%broadcast_in_dim3A_254], %scan3A_241#5 masked %eq3A_4 : memref<32xf32, #tpu.memory_space<vmem>>[vector<16xi32>], vector<16xf32>, vector<16xi1>
    %broadcast_in_dim3A_255 = arith.constant 22 : i32
    %broadcast_in_dim3A_256 = vector.broadcast %broadcast_in_dim3A_255 : i32 to vector<16xi32>
    tpu.vector_store_idx %arg5[%broadcast_in_dim3A_256], %scan3A_241#6 masked %eq3A_4 : memref<32xf32, #tpu.memory_space<vmem>>[vector<16xi32>], vector<16xf32>, vector<16xi1>
    %broadcast_in_dim3A_257 = arith.constant 23 : i32
    %broadcast_in_dim3A_258 = vector.broadcast %broadcast_in_dim3A_257 : i32 to vector<16xi32>
    tpu.vector_store_idx %arg5[%broadcast_in_dim3A_258], %scan3A_241#7 masked %eq3A_4 : memref<32xf32, #tpu.memory_space<vmem>>[vector<16xi32>], vector<16xf32>, vector<16xi1>
    %get3A_259 = arith.constant 24 : i32
    %get3A_260 = arith.index_cast %get3A_259 : i32 to index
    %get3A_261 = arith.constant 0 : index
    %get3A_262 = tpu.vector_load %arg4[%get3A_260, %get3A_261] {strides = array<i32>} : memref<32x1024xf32, #tpu.memory_space<vmem>>, vector<16xf32>,
    %sort3A_263 = arith.constant dense<true> : vector<16xi1>
    %sort3A_264, %sort3A_265, %sort3A_266 = tpu.sort %get3A_262, %get3A_262 masked %sort3A_263 : (vector<16xf32>, vector<16xf32>, vector<16xi1>) -> (vector<16xi1>, vector<16xf32>, vector<16xf32>)
    %get3A_267 = arith.constant 25 : i32
    %get3A_268 = arith.index_cast %get3A_267 : i32 to index
    %get3A_269 = arith.constant 0 : index
    %get3A_270 = tpu.vector_load %arg4[%get3A_268, %get3A_269] {strides = array<i32>} : memref<32x1024xf32, #tpu.memory_space<vmem>>, vector<16xf32>,
    %sort3A_271 = arith.constant dense<true> : vector<16xi1>
    %sort3A_272, %sort3A_273, %sort3A_274 = tpu.sort %get3A_270, %get3A_270 masked %sort3A_271 : (vector<16xf32>, vector<16xf32>, vector<16xi1>) -> (vector<16xi1>, vector<16xf32>, vector<16xf32>)
    %get3A_275 = arith.constant 26 : i32
    %get3A_276 = arith.index_cast %get3A_275 : i32 to index
    %get3A_277 = arith.constant 0 : index
    %get3A_278 = tpu.vector_load %arg4[%get3A_276, %get3A_277] {strides = array<i32>} : memref<32x1024xf32, #tpu.memory_space<vmem>>, vector<16xf32>,
    %sort3A_279 = arith.constant dense<true> : vector<16xi1>
    %sort3A_280, %sort3A_281, %sort3A_282 = tpu.sort %get3A_278, %get3A_278 masked %sort3A_279 : (vector<16xf32>, vector<16xf32>, vector<16xi1>) -> (vector<16xi1>, vector<16xf32>, vector<16xf32>)
    %get3A_283 = arith.constant 27 : i32
    %get3A_284 = arith.index_cast %get3A_283 : i32 to index
    %get3A_285 = arith.constant 0 : index
    %get3A_286 = tpu.vector_load %arg4[%get3A_284, %get3A_285] {strides = array<i32>} : memref<32x1024xf32, #tpu.memory_space<vmem>>, vector<16xf32>,
    %sort3A_287 = arith.constant dense<true> : vector<16xi1>
    %sort3A_288, %sort3A_289, %sort3A_290 = tpu.sort %get3A_286, %get3A_286 masked %sort3A_287 : (vector<16xf32>, vector<16xf32>, vector<16xi1>) -> (vector<16xi1>, vector<16xf32>, vector<16xf32>)
    %get3A_291 = arith.constant 28 : i32
    %get3A_292 = arith.index_cast %get3A_291 : i32 to index
    %get3A_293 = arith.constant 0 : index
    %get3A_294 = tpu.vector_load %arg4[%get3A_292, %get3A_293] {strides = array<i32>} : memref<32x1024xf32, #tpu.memory_space<vmem>>, vector<16xf32>,
    %sort3A_295 = arith.constant dense<true> : vector<16xi1>
    %sort3A_296, %sort3A_297, %sort3A_298 = tpu.sort %get3A_294, %get3A_294 masked %sort3A_295 : (vector<16xf32>, vector<16xf32>, vector<16xi1>) -> (vector<16xi1>, vector<16xf32>, vector<16xf32>)
    %get3A_299 = arith.constant 29 : i32
    %get3A_300 = arith.index_cast %get3A_299 : i32 to index
    %get3A_301 = arith.constant 0 : index
    %get3A_302 = tpu.vector_load %arg4[%get3A_300, %get3A_301] {strides = array<i32>} : memref<32x1024xf32, #tpu.memory_space<vmem>>, vector<16xf32>,
    %sort3A_303 = arith.constant dense<true> : vector<16xi1>
    %sort3A_304, %sort3A_305, %sort3A_306 = tpu.sort %get3A_302, %get3A_302 masked %sort3A_303 : (vector<16xf32>, vector<16xf32>, vector<16xi1>) -> (vector<16xi1>, vector<16xf32>, vector<16xf32>)
    %get3A_307 = arith.constant 30 : i32
    %get3A_308 = arith.index_cast %get3A_307 : i32 to index
    %get3A_309 = arith.constant 0 : index
    %get3A_310 = tpu.vector_load %arg4[%get3A_308, %get3A_309] {strides = array<i32>} : memref<32x1024xf32, #tpu.memory_space<vmem>>, vector<16xf32>,
    %sort3A_311 = arith.constant dense<true> : vector<16xi1>
    %sort3A_312, %sort3A_313, %sort3A_314 = tpu.sort %get3A_310, %get3A_310 masked %sort3A_311 : (vector<16xf32>, vector<16xf32>, vector<16xi1>) -> (vector<16xi1>, vector<16xf32>, vector<16xf32>)
    %get3A_315 = arith.constant 31 : i32
    %get3A_316 = arith.index_cast %get3A_315 : i32 to index
    %get3A_317 = arith.constant 0 : index
    %get3A_318 = tpu.vector_load %arg4[%get3A_316, %get3A_317] {strides = array<i32>} : memref<32x1024xf32, #tpu.memory_space<vmem>>, vector<16xf32>,
    %sort3A_319 = arith.constant dense<true> : vector<16xi1>
    %sort3A_320, %sort3A_321, %sort3A_322 = tpu.sort %get3A_318, %get3A_318 masked %sort3A_319 : (vector<16xf32>, vector<16xf32>, vector<16xi1>) -> (vector<16xi1>, vector<16xf32>, vector<16xf32>)
    %scan3A_323 = arith.constant 1 : i32
    %scan3A_324 = arith.constant 63 : i32
    %scan3A_325 = arith.addi %scan3A_323, %scan3A_324 : i32
    %scan3A_326 = arith.constant 1 : i32
    %scan3A_327:8 = scf.for %scan3A_345 = %scan3A_323 to %scan3A_325 step %scan3A_326 iter_args(%scan3A_346 = %sort3A_265, %scan3A_347 = %sort3A_273, %scan3A_348 = %sort3A_281, %scan3A_349 = %sort3A_289, %scan3A_350 = %sort3A_297, %scan3A_351 = %sort3A_305, %scan3A_352 = %sort3A_313, %scan3A_353 = %sort3A_321) -> (vector<16xf32>, vector<16xf32>, vector<16xf32>, vector<16xf32>, vector<16xf32>, vector<16xf32>, vector<16xf32>, vector<16xf32>)  : i32 {
      %mul3A_354 = arith.constant 16 : i32
      %mul3A_355 = arith.muli %scan3A_345, %mul3A_354 : i32
      %get3A_356 = arith.constant 24 : i32
      %get3A_357 = arith.index_cast %get3A_356 : i32 to index
      %get3A_358 = arith.index_cast %mul3A_355 : i32 to index
      %get3A_359 = tpu.vector_load %arg4[%get3A_357, %get3A_358] {strides = array<i32>} : memref<32x1024xf32, #tpu.memory_space<vmem>>, vector<16xf32>,
      %sort3A_360 = arith.constant dense<true> : vector<16xi1>
      %sort3A_361, %sort3A_362, %sort3A_363 = tpu.sort %get3A_359, %get3A_359 masked %sort3A_360 : (vector<16xf32>, vector<16xf32>, vector<16xi1>) -> (vector<16xi1>, vector<16xf32>, vector<16xf32>)
      %rev3A = arith.constant 15 : i32
      %rev3A_364 = vector.broadcast %rev3A : i32 to vector<16xi32>
      %rev3A_365 = tpu.iota {dimensions = array<i32: 0>} : vector<16xi32>
      %rev3A_366 = arith.subi %rev3A_364, %rev3A_365 : vector<16xi32>
      %rev3A_367 = tpu.dynamic_gather %sort3A_362[%rev3A_366] in [0] : vector<16xf32>, vector<16xi32> -> vector<16xf32>
      %max3A = arith.maximumf %scan3A_346, %rev3A_367 : vector<16xf32>
      %sort3A_368 = arith.constant dense<true> : vector<16xi1>
      %sort3A_369, %sort3A_370, %sort3A_371 = tpu.sort %max3A, %max3A masked %sort3A_368 : (vector<16xf32>, vector<16xf32>, vector<16xi1>) -> (vector<16xi1>, vector<16xf32>, vector<16xf32>)
      %mul3A_372 = arith.constant 16 : i32
      %mul3A_373 = arith.muli %scan3A_345, %mul3A_372 : i32
      %get3A_374 = arith.constant 25 : i32
      %get3A_375 = arith.index_cast %get3A_374 : i32 to index
      %get3A_376 = arith.index_cast %mul3A_373 : i32 to index
      %get3A_377 = tpu.vector_load %arg4[%get3A_375, %get3A_376] {strides = array<i32>} : memref<32x1024xf32, #tpu.memory_space<vmem>>, vector<16xf32>,
      %sort3A_378 = arith.constant dense<true> : vector<16xi1>
      %sort3A_379, %sort3A_380, %sort3A_381 = tpu.sort %get3A_377, %get3A_377 masked %sort3A_378 : (vector<16xf32>, vector<16xf32>, vector<16xi1>) -> (vector<16xi1>, vector<16xf32>, vector<16xf32>)
      %rev3A_382 = arith.constant 15 : i32
      %rev3A_383 = vector.broadcast %rev3A_382 : i32 to vector<16xi32>
      %rev3A_384 = tpu.iota {dimensions = array<i32: 0>} : vector<16xi32>
      %rev3A_385 = arith.subi %rev3A_383, %rev3A_384 : vector<16xi32>
      %rev3A_386 = tpu.dynamic_gather %sort3A_380[%rev3A_385] in [0] : vector<16xf32>, vector<16xi32> -> vector<16xf32>
      %max3A_387 = arith.maximumf %scan3A_347, %rev3A_386 : vector<16xf32>
      %sort3A_388 = arith.constant dense<true> : vector<16xi1>
      %sort3A_389, %sort3A_390, %sort3A_391 = tpu.sort %max3A_387, %max3A_387 masked %sort3A_388 : (vector<16xf32>, vector<16xf32>, vector<16xi1>) -> (vector<16xi1>, vector<16xf32>, vector<16xf32>)
      %mul3A_392 = arith.constant 16 : i32
      %mul3A_393 = arith.muli %scan3A_345, %mul3A_392 : i32
      %get3A_394 = arith.constant 26 : i32
      %get3A_395 = arith.index_cast %get3A_394 : i32 to index
      %get3A_396 = arith.index_cast %mul3A_393 : i32 to index
      %get3A_397 = tpu.vector_load %arg4[%get3A_395, %get3A_396] {strides = array<i32>} : memref<32x1024xf32, #tpu.memory_space<vmem>>, vector<16xf32>,
      %sort3A_398 = arith.constant dense<true> : vector<16xi1>
      %sort3A_399, %sort3A_400, %sort3A_401 = tpu.sort %get3A_397, %get3A_397 masked %sort3A_398 : (vector<16xf32>, vector<16xf32>, vector<16xi1>) -> (vector<16xi1>, vector<16xf32>, vector<16xf32>)
      %rev3A_402 = arith.constant 15 : i32
      %rev3A_403 = vector.broadcast %rev3A_402 : i32 to vector<16xi32>
      %rev3A_404 = tpu.iota {dimensions = array<i32: 0>} : vector<16xi32>
      %rev3A_405 = arith.subi %rev3A_403, %rev3A_404 : vector<16xi32>
      %rev3A_406 = tpu.dynamic_gather %sort3A_400[%rev3A_405] in [0] : vector<16xf32>, vector<16xi32> -> vector<16xf32>
      %max3A_407 = arith.maximumf %scan3A_348, %rev3A_406 : vector<16xf32>
      %sort3A_408 = arith.constant dense<true> : vector<16xi1>
      %sort3A_409, %sort3A_410, %sort3A_411 = tpu.sort %max3A_407, %max3A_407 masked %sort3A_408 : (vector<16xf32>, vector<16xf32>, vector<16xi1>) -> (vector<16xi1>, vector<16xf32>, vector<16xf32>)
      %mul3A_412 = arith.constant 16 : i32
      %mul3A_413 = arith.muli %scan3A_345, %mul3A_412 : i32
      %get3A_414 = arith.constant 27 : i32
      %get3A_415 = arith.index_cast %get3A_414 : i32 to index
      %get3A_416 = arith.index_cast %mul3A_413 : i32 to index
      %get3A_417 = tpu.vector_load %arg4[%get3A_415, %get3A_416] {strides = array<i32>} : memref<32x1024xf32, #tpu.memory_space<vmem>>, vector<16xf32>,
      %sort3A_418 = arith.constant dense<true> : vector<16xi1>
      %sort3A_419, %sort3A_420, %sort3A_421 = tpu.sort %get3A_417, %get3A_417 masked %sort3A_418 : (vector<16xf32>, vector<16xf32>, vector<16xi1>) -> (vector<16xi1>, vector<16xf32>, vector<16xf32>)
      %rev3A_422 = arith.constant 15 : i32
      %rev3A_423 = vector.broadcast %rev3A_422 : i32 to vector<16xi32>
      %rev3A_424 = tpu.iota {dimensions = array<i32: 0>} : vector<16xi32>
      %rev3A_425 = arith.subi %rev3A_423, %rev3A_424 : vector<16xi32>
      %rev3A_426 = tpu.dynamic_gather %sort3A_420[%rev3A_425] in [0] : vector<16xf32>, vector<16xi32> -> vector<16xf32>
      %max3A_427 = arith.maximumf %scan3A_349, %rev3A_426 : vector<16xf32>
      %sort3A_428 = arith.constant dense<true> : vector<16xi1>
      %sort3A_429, %sort3A_430, %sort3A_431 = tpu.sort %max3A_427, %max3A_427 masked %sort3A_428 : (vector<16xf32>, vector<16xf32>, vector<16xi1>) -> (vector<16xi1>, vector<16xf32>, vector<16xf32>)
      %mul3A_432 = arith.constant 16 : i32
      %mul3A_433 = arith.muli %scan3A_345, %mul3A_432 : i32
      %get3A_434 = arith.constant 28 : i32
      %get3A_435 = arith.index_cast %get3A_434 : i32 to index
      %get3A_436 = arith.index_cast %mul3A_433 : i32 to index
      %get3A_437 = tpu.vector_load %arg4[%get3A_435, %get3A_436] {strides = array<i32>} : memref<32x1024xf32, #tpu.memory_space<vmem>>, vector<16xf32>,
      %sort3A_438 = arith.constant dense<true> : vector<16xi1>
      %sort3A_439, %sort3A_440, %sort3A_441 = tpu.sort %get3A_437, %get3A_437 masked %sort3A_438 : (vector<16xf32>, vector<16xf32>, vector<16xi1>) -> (vector<16xi1>, vector<16xf32>, vector<16xf32>)
      %rev3A_442 = arith.constant 15 : i32
      %rev3A_443 = vector.broadcast %rev3A_442 : i32 to vector<16xi32>
      %rev3A_444 = tpu.iota {dimensions = array<i32: 0>} : vector<16xi32>
      %rev3A_445 = arith.subi %rev3A_443, %rev3A_444 : vector<16xi32>
      %rev3A_446 = tpu.dynamic_gather %sort3A_440[%rev3A_445] in [0] : vector<16xf32>, vector<16xi32> -> vector<16xf32>
      %max3A_447 = arith.maximumf %scan3A_350, %rev3A_446 : vector<16xf32>
      %sort3A_448 = arith.constant dense<true> : vector<16xi1>
      %sort3A_449, %sort3A_450, %sort3A_451 = tpu.sort %max3A_447, %max3A_447 masked %sort3A_448 : (vector<16xf32>, vector<16xf32>, vector<16xi1>) -> (vector<16xi1>, vector<16xf32>, vector<16xf32>)
      %mul3A_452 = arith.constant 16 : i32
      %mul3A_453 = arith.muli %scan3A_345, %mul3A_452 : i32
      %get3A_454 = arith.constant 29 : i32
      %get3A_455 = arith.index_cast %get3A_454 : i32 to index
      %get3A_456 = arith.index_cast %mul3A_453 : i32 to index
      %get3A_457 = tpu.vector_load %arg4[%get3A_455, %get3A_456] {strides = array<i32>} : memref<32x1024xf32, #tpu.memory_space<vmem>>, vector<16xf32>,
      %sort3A_458 = arith.constant dense<true> : vector<16xi1>
      %sort3A_459, %sort3A_460, %sort3A_461 = tpu.sort %get3A_457, %get3A_457 masked %sort3A_458 : (vector<16xf32>, vector<16xf32>, vector<16xi1>) -> (vector<16xi1>, vector<16xf32>, vector<16xf32>)
      %rev3A_462 = arith.constant 15 : i32
      %rev3A_463 = vector.broadcast %rev3A_462 : i32 to vector<16xi32>
      %rev3A_464 = tpu.iota {dimensions = array<i32: 0>} : vector<16xi32>
      %rev3A_465 = arith.subi %rev3A_463, %rev3A_464 : vector<16xi32>
      %rev3A_466 = tpu.dynamic_gather %sort3A_460[%rev3A_465] in [0] : vector<16xf32>, vector<16xi32> -> vector<16xf32>
      %max3A_467 = arith.maximumf %scan3A_351, %rev3A_466 : vector<16xf32>
      %sort3A_468 = arith.constant dense<true> : vector<16xi1>
      %sort3A_469, %sort3A_470, %sort3A_471 = tpu.sort %max3A_467, %max3A_467 masked %sort3A_468 : (vector<16xf32>, vector<16xf32>, vector<16xi1>) -> (vector<16xi1>, vector<16xf32>, vector<16xf32>)
      %mul3A_472 = arith.constant 16 : i32
      %mul3A_473 = arith.muli %scan3A_345, %mul3A_472 : i32
      %get3A_474 = arith.constant 30 : i32
      %get3A_475 = arith.index_cast %get3A_474 : i32 to index
      %get3A_476 = arith.index_cast %mul3A_473 : i32 to index
      %get3A_477 = tpu.vector_load %arg4[%get3A_475, %get3A_476] {strides = array<i32>} : memref<32x1024xf32, #tpu.memory_space<vmem>>, vector<16xf32>,
      %sort3A_478 = arith.constant dense<true> : vector<16xi1>
      %sort3A_479, %sort3A_480, %sort3A_481 = tpu.sort %get3A_477, %get3A_477 masked %sort3A_478 : (vector<16xf32>, vector<16xf32>, vector<16xi1>) -> (vector<16xi1>, vector<16xf32>, vector<16xf32>)
      %rev3A_482 = arith.constant 15 : i32
      %rev3A_483 = vector.broadcast %rev3A_482 : i32 to vector<16xi32>
      %rev3A_484 = tpu.iota {dimensions = array<i32: 0>} : vector<16xi32>
      %rev3A_485 = arith.subi %rev3A_483, %rev3A_484 : vector<16xi32>
      %rev3A_486 = tpu.dynamic_gather %sort3A_480[%rev3A_485] in [0] : vector<16xf32>, vector<16xi32> -> vector<16xf32>
      %max3A_487 = arith.maximumf %scan3A_352, %rev3A_486 : vector<16xf32>
      %sort3A_488 = arith.constant dense<true> : vector<16xi1>
      %sort3A_489, %sort3A_490, %sort3A_491 = tpu.sort %max3A_487, %max3A_487 masked %sort3A_488 : (vector<16xf32>, vector<16xf32>, vector<16xi1>) -> (vector<16xi1>, vector<16xf32>, vector<16xf32>)
      %mul3A_492 = arith.constant 16 : i32
      %mul3A_493 = arith.muli %scan3A_345, %mul3A_492 : i32
      %get3A_494 = arith.constant 31 : i32
      %get3A_495 = arith.index_cast %get3A_494 : i32 to index
      %get3A_496 = arith.index_cast %mul3A_493 : i32 to index
      %get3A_497 = tpu.vector_load %arg4[%get3A_495, %get3A_496] {strides = array<i32>} : memref<32x1024xf32, #tpu.memory_space<vmem>>, vector<16xf32>,
      %sort3A_498 = arith.constant dense<true> : vector<16xi1>
      %sort3A_499, %sort3A_500, %sort3A_501 = tpu.sort %get3A_497, %get3A_497 masked %sort3A_498 : (vector<16xf32>, vector<16xf32>, vector<16xi1>) -> (vector<16xi1>, vector<16xf32>, vector<16xf32>)
      %rev3A_502 = arith.constant 15 : i32
      %rev3A_503 = vector.broadcast %rev3A_502 : i32 to vector<16xi32>
      %rev3A_504 = tpu.iota {dimensions = array<i32: 0>} : vector<16xi32>
      %rev3A_505 = arith.subi %rev3A_503, %rev3A_504 : vector<16xi32>
      %rev3A_506 = tpu.dynamic_gather %sort3A_500[%rev3A_505] in [0] : vector<16xf32>, vector<16xi32> -> vector<16xf32>
      %max3A_507 = arith.maximumf %scan3A_353, %rev3A_506 : vector<16xf32>
      %sort3A_508 = arith.constant dense<true> : vector<16xi1>
      %sort3A_509, %sort3A_510, %sort3A_511 = tpu.sort %max3A_507, %max3A_507 masked %sort3A_508 : (vector<16xf32>, vector<16xf32>, vector<16xi1>) -> (vector<16xi1>, vector<16xf32>, vector<16xf32>)
      scf.yield %sort3A_370, %sort3A_390, %sort3A_410, %sort3A_430, %sort3A_450, %sort3A_470, %sort3A_490, %sort3A_510 : vector<16xf32>, vector<16xf32>, vector<16xf32>, vector<16xf32>, vector<16xf32>, vector<16xf32>, vector<16xf32>, vector<16xf32>
    }
    %scan3A_328 = arith.constant 63 : i32
    %broadcast_in_dim3A_329 = arith.constant 24 : i32
    %broadcast_in_dim3A_330 = vector.broadcast %broadcast_in_dim3A_329 : i32 to vector<16xi32>
    tpu.vector_store_idx %arg5[%broadcast_in_dim3A_330], %scan3A_327#0 masked %eq3A_4 : memref<32xf32, #tpu.memory_space<vmem>>[vector<16xi32>], vector<16xf32>, vector<16xi1>
    %broadcast_in_dim3A_331 = arith.constant 25 : i32
    %broadcast_in_dim3A_332 = vector.broadcast %broadcast_in_dim3A_331 : i32 to vector<16xi32>
    tpu.vector_store_idx %arg5[%broadcast_in_dim3A_332], %scan3A_327#1 masked %eq3A_4 : memref<32xf32, #tpu.memory_space<vmem>>[vector<16xi32>], vector<16xf32>, vector<16xi1>
    %broadcast_in_dim3A_333 = arith.constant 26 : i32
    %broadcast_in_dim3A_334 = vector.broadcast %broadcast_in_dim3A_333 : i32 to vector<16xi32>
    tpu.vector_store_idx %arg5[%broadcast_in_dim3A_334], %scan3A_327#2 masked %eq3A_4 : memref<32xf32, #tpu.memory_space<vmem>>[vector<16xi32>], vector<16xf32>, vector<16xi1>
    %broadcast_in_dim3A_335 = arith.constant 27 : i32
    %broadcast_in_dim3A_336 = vector.broadcast %broadcast_in_dim3A_335 : i32 to vector<16xi32>
    tpu.vector_store_idx %arg5[%broadcast_in_dim3A_336], %scan3A_327#3 masked %eq3A_4 : memref<32xf32, #tpu.memory_space<vmem>>[vector<16xi32>], vector<16xf32>, vector<16xi1>
    %broadcast_in_dim3A_337 = arith.constant 28 : i32
    %broadcast_in_dim3A_338 = vector.broadcast %broadcast_in_dim3A_337 : i32 to vector<16xi32>
    tpu.vector_store_idx %arg5[%broadcast_in_dim3A_338], %scan3A_327#4 masked %eq3A_4 : memref<32xf32, #tpu.memory_space<vmem>>[vector<16xi32>], vector<16xf32>, vector<16xi1>
    %broadcast_in_dim3A_339 = arith.constant 29 : i32
    %broadcast_in_dim3A_340 = vector.broadcast %broadcast_in_dim3A_339 : i32 to vector<16xi32>
    tpu.vector_store_idx %arg5[%broadcast_in_dim3A_340], %scan3A_327#5 masked %eq3A_4 : memref<32xf32, #tpu.memory_space<vmem>>[vector<16xi32>], vector<16xf32>, vector<16xi1>
    %broadcast_in_dim3A_341 = arith.constant 30 : i32
    %broadcast_in_dim3A_342 = vector.broadcast %broadcast_in_dim3A_341 : i32 to vector<16xi32>
    tpu.vector_store_idx %arg5[%broadcast_in_dim3A_342], %scan3A_327#6 masked %eq3A_4 : memref<32xf32, #tpu.memory_space<vmem>>[vector<16xi32>], vector<16xf32>, vector<16xi1>
    %broadcast_in_dim3A_343 = arith.constant 31 : i32
    %broadcast_in_dim3A_344 = vector.broadcast %broadcast_in_dim3A_343 : i32 to vector<16xi32>
    tpu.vector_store_idx %arg5[%broadcast_in_dim3A_344], %scan3A_327#7 masked %eq3A_4 : memref<32xf32, #tpu.memory_space<vmem>>[vector<16xi32>], vector<16xf32>, vector<16xi1>
    "tpu.region"() ({
      %run_scoped3A = tpu.sem_alloc : memref<!tpu.dma_semaphore, #tpu.memory_space<semaphore_mem>>
      %dma_start3A = tpu.memref_slice %arg3[%mul3A_2] : memref<1024xf32, #tpu.memory_space<hbm>> -> memref<32xf32, #tpu.memory_space<hbm>>
      %dma_start3A_345 = tpu.memref_slice %arg3[%mul3A_2] : memref<1024xf32, #tpu.memory_space<hbm>> -> memref<32xf32, #tpu.memory_space<hbm>>
      tpu.enqueue_dma source(%arg5 : memref<32xf32, #tpu.memory_space<vmem>>) target(%dma_start3A_345 : memref<32xf32, #tpu.memory_space<hbm>>) target_semaphore(%run_scoped3A : memref<!tpu.dma_semaphore, #tpu.memory_space<semaphore_mem>>)
      %dma_wait3A = tpu.memref_slice %arg3[%mul3A_2] : memref<1024xf32, #tpu.memory_space<hbm>> -> memref<32xf32, #tpu.memory_space<hbm>>
      %dma_wait3A_346 = tpu.memref_slice %arg3[%mul3A_2] : memref<1024xf32, #tpu.memory_space<hbm>> -> memref<32xf32, #tpu.memory_space<hbm>>
      tpu.wait_dma2 semaphore(%run_scoped3A : memref<!tpu.dma_semaphore, #tpu.memory_space<semaphore_mem>>) src(%arg5 : memref<32xf32, #tpu.memory_space<vmem>>) dst(%dma_wait3A_346 : memref<32xf32, #tpu.memory_space<hbm>>)
      tpu.yield
    }) : () -> ()
    return
  }
}

module attributes {stable_mosaic.version = 14 : i64} {
  func.func @_pool_norm_kernel(%arg0: i32, %arg1: memref<32x200x128xf32, #tpu.memory_space<vmem>>, %arg2: memref<32x128xf32, #tpu.memory_space<vmem>>) attributes {dimension_semantics = [#tpu.dimension_semantics<arbitrary>], iteration_bounds = array<i64: 32>, scalar_prefetch = 0 : i64, scratch_operands = 0 : i64, tpu.core_type = #tpu.core_type<tc>, window_params = [{transform_indices = @transform_0, window_bounds = array<i64: 32, 200, 128>}, {transform_indices = @transform_1, window_bounds = array<i64: 32, 128>}]} {
    %get3A = arith.constant 0 : index
    %get3A_0 = arith.constant 0 : index
    %get3A_1 = arith.constant 0 : index
    %get3A_2 = vector.load %arg1[%get3A, %get3A_0, %get3A_1] : memref<32x200x128xf32, #tpu.memory_space<vmem>>, vector<32x200x128xf32>
    %reduce_sum3A = arith.constant dense<0.000000e+00> : vector<32x128xf32>
    %reduce_sum3A_3 = vector.multi_reduction <add>, %get3A_2, %reduce_sum3A [1] : vector<32x200x128xf32> to vector<32x128xf32>
    %div3A = arith.constant 2.000000e+02 : f32
    %div3A_4 = vector.broadcast %div3A : f32 to vector<32x128xf32>
    %div3A_5 = arith.divf %reduce_sum3A_3, %div3A_4 : vector<32x128xf32>
    %mul3A = arith.mulf %div3A_5, %div3A_5 : vector<32x128xf32>
    %reduce_sum3A_6 = arith.constant dense<0.000000e+00> : vector<32xf32>
    %reduce_sum3A_7 = vector.multi_reduction <add>, %mul3A, %reduce_sum3A_6 [1] : vector<32x128xf32> to vector<32xf32>
    %broadcast_in_dim3A = vector.shape_cast %reduce_sum3A_7 : vector<32xf32> to vector<32x1xf32>
    %sqrt3A = math.sqrt %broadcast_in_dim3A : vector<32x1xf32>
    %max3A = arith.constant 9.99999996E-13 : f32
    %max3A_8 = vector.broadcast %max3A : f32 to vector<32x1xf32>
    %max3A_9 = arith.maximumf %sqrt3A, %max3A_8 : vector<32x1xf32>
    %div3A_10 = vector.broadcast %max3A_9 : vector<32x1xf32> to vector<32x128xf32>
    %div3A_11 = arith.divf %div3A_5, %div3A_10 : vector<32x128xf32>
    %swap3A = arith.constant 0 : index
    %swap3A_12 = arith.constant 0 : index
    %swap3A_13 = vector.load %arg2[%swap3A, %swap3A_12] : memref<32x128xf32, #tpu.memory_space<vmem>>, vector<32x128xf32>
    tpu.vector_store %arg2[%swap3A, %swap3A_12], %div3A_11 {strides = array<i32>} : memref<32x128xf32, #tpu.memory_space<vmem>>, vector<32x128xf32>,
    return
  }
  func.func @transform_0(%arg0: i32) -> (i32, i32, i32) {
    %c0_i32 = arith.constant 0 : i32
    %c0_i32_0 = arith.constant 0 : i32
    %c0_i32_1 = arith.constant 0 : i32
    return %arg0, %c0_i32, %c0_i32_0 : i32, i32, i32
  }
  func.func @transform_1(%arg0: i32) -> (i32, i32) {
    %c0_i32 = arith.constant 0 : i32
    %c0_i32_0 = arith.constant 0 : i32
    return %arg0, %c0_i32 : i32, i32
  }
}

module attributes {stable_mosaic.version = 14 : i64} {
  func.func @_sim_a_kernel(%arg0: i32, %arg1: memref<256x128xf32, #tpu.memory_space<vmem>>, %arg2: memref<1024x128xf32, #tpu.memory_space<vmem>>, %arg3: memref<256x1024xf32, #tpu.memory_space<vmem>>) attributes {dimension_semantics = [#tpu.dimension_semantics<arbitrary>], iteration_bounds = array<i64: 4>, scalar_prefetch = 0 : i64, scratch_operands = 0 : i64, tpu.core_type = #tpu.core_type<tc>, window_params = [{transform_indices = @transform_0, window_bounds = array<i64: 256, 128>}, {pipeline_mode = #tpu.pipeline_mode<synchronous>, transform_indices = @transform_1, window_bounds = array<i64: 1024, 128>}, {transform_indices = @transform_2, window_bounds = array<i64: 256, 1024>}]} {
    %get3A = arith.constant 0 : index
    %get3A_0 = arith.constant 0 : index
    %get3A_1 = vector.load %arg1[%get3A, %get3A_0] : memref<256x128xf32, #tpu.memory_space<vmem>>, vector<256x128xf32>
    %get3A_2 = arith.constant 0 : index
    %get3A_3 = arith.constant 0 : index
    %get3A_4 = vector.load %arg2[%get3A_2, %get3A_3] : memref<1024x128xf32, #tpu.memory_space<vmem>>, vector<1024x128xf32>
    %dot_general3A = arith.constant dense<0.000000e+00> : vector<256x1024xf32>
    %dot_general3A_5 = tpu.matmul %get3A_1, %get3A_4, %dot_general3A {dimension_numbers = #tpu.dot_dimension_numbers<[1], [1], [0], [0], [0, 0, 1, 0], [], []>, transpose_lhs_hint = false} : vector<256x128xf32>, vector<1024x128xf32>, vector<256x1024xf32> -> vector<256x1024xf32>
    %mul3A = arith.constant 256 : i32
    %mul3A_6 = arith.muli %arg0, %mul3A : i32
    %iota3A = tpu.iota {dimensions = array<i32: 0>} : vector<256x1024xi32>
    %add3A = vector.broadcast %mul3A_6 : i32 to vector<256x1024xi32>
    %add3A_7 = arith.addi %add3A, %iota3A : vector<256x1024xi32>
    %iota3A_8 = tpu.iota {dimensions = array<i32: 1>} : vector<256x1024xi32>
    %eq3A = arith.cmpi eq, %add3A_7, %iota3A_8 : vector<256x1024xi32>
    %jit3A = arith.constant -3.000000e+38 : f32
    %broadcast_in_dim3A = vector.broadcast %jit3A : f32 to vector<256x1024xf32>
    %select_n3A = arith.select %eq3A, %broadcast_in_dim3A, %dot_general3A_5 : vector<256x1024xi1>, vector<256x1024xf32>
    %swap3A = arith.constant 0 : index
    %swap3A_9 = arith.constant 0 : index
    %swap3A_10 = vector.load %arg3[%swap3A, %swap3A_9] : memref<256x1024xf32, #tpu.memory_space<vmem>>, vector<256x1024xf32>
    tpu.vector_store %arg3[%swap3A, %swap3A_9], %select_n3A {strides = array<i32>} : memref<256x1024xf32, #tpu.memory_space<vmem>>, vector<256x1024xf32>,
    return
  }
  func.func @transform_0(%arg0: i32) -> (i32, i32) {
    %c0_i32 = arith.constant 0 : i32
    %c0_i32_0 = arith.constant 0 : i32
    return %arg0, %c0_i32 : i32, i32
  }
  func.func @transform_1(%arg0: i32) -> (i32, i32) {
    %c0_i32 = arith.constant 0 : i32
    %c0_i32_0 = arith.constant 0 : i32
    %c0_i32_1 = arith.constant 0 : i32
    return %c0_i32, %c0_i32_0 : i32, i32
  }
  func.func @transform_2(%arg0: i32) -> (i32, i32) {
    %c0_i32 = arith.constant 0 : i32
    %c0_i32_0 = arith.constant 0 : i32
    return %arg0, %c0_i32 : i32, i32
  }
}

module attributes {stable_mosaic.version = 14 : i64} {
  func.func @_loss_kernel(%arg0: i32, %arg1: memref<256x128xf32, #tpu.memory_space<vmem>>, %arg2: memref<1024x128xf32, #tpu.memory_space<vmem>>, %arg3: memref<256x1024xf32, #tpu.memory_space<vmem>>, %arg4: memref<256x1xf32, #tpu.memory_space<vmem>>, %arg5: memref<1x1xf32, #tpu.memory_space<vmem>>) attributes {dimension_semantics = [#tpu.dimension_semantics<arbitrary>], iteration_bounds = array<i64: 4>, scalar_prefetch = 0 : i64, scratch_operands = 0 : i64, tpu.core_type = #tpu.core_type<tc>, window_params = [{transform_indices = @transform_0, window_bounds = array<i64: 256, 128>}, {pipeline_mode = #tpu.pipeline_mode<synchronous>, transform_indices = @transform_1, window_bounds = array<i64: 1024, 128>}, {transform_indices = @transform_2, window_bounds = array<i64: 256, 1024>}, {transform_indices = @transform_3, window_bounds = array<i64: 256, 1>}, {pipeline_mode = #tpu.pipeline_mode<synchronous>, transform_indices = @transform_4, window_bounds = array<i64: 1, 1>}]} {
    %get3A = arith.constant 0 : index
    %get3A_0 = arith.constant 0 : index
    %get3A_1 = vector.load %arg1[%get3A, %get3A_0] : memref<256x128xf32, #tpu.memory_space<vmem>>, vector<256x128xf32>
    %get3A_2 = arith.constant 0 : index
    %get3A_3 = arith.constant 0 : index
    %get3A_4 = vector.load %arg2[%get3A_2, %get3A_3] : memref<1024x128xf32, #tpu.memory_space<vmem>>, vector<1024x128xf32>
    %dot_general3A = arith.constant dense<0.000000e+00> : vector<256x1024xf32>
    %dot_general3A_5 = tpu.matmul %get3A_1, %get3A_4, %dot_general3A {dimension_numbers = #tpu.dot_dimension_numbers<[1], [1], [0], [0], [0, 0, 1, 0], [], []>, transpose_lhs_hint = false} : vector<256x128xf32>, vector<1024x128xf32>, vector<256x1024xf32> -> vector<256x1024xf32>
    %mul3A = arith.constant 1.000000e+01 : f32
    %mul3A_6 = vector.broadcast %mul3A : f32 to vector<256x1024xf32>
    %mul3A_7 = arith.mulf %dot_general3A_5, %mul3A_6 : vector<256x1024xf32>
    %mul3A_8 = arith.constant 256 : i32
    %mul3A_9 = arith.muli %arg0, %mul3A_8 : i32
    %iota3A = tpu.iota {dimensions = array<i32: 0>} : vector<256x1024xi32>
    %add3A = vector.broadcast %mul3A_9 : i32 to vector<256x1024xi32>
    %add3A_10 = arith.addi %add3A, %iota3A : vector<256x1024xi32>
    %iota3A_11 = tpu.iota {dimensions = array<i32: 1>} : vector<256x1024xi32>
    %eq3A = arith.cmpi eq, %add3A_10, %iota3A_11 : vector<256x1024xi32>
    %reduce_max3A = arith.constant dense<0xFF800000> : vector<256xf32>
    %reduce_max3A_12 = vector.multi_reduction <maximumf>, %mul3A_7, %reduce_max3A [1] : vector<256x1024xf32> to vector<256xf32>
    %broadcast_in_dim3A = vector.shape_cast %reduce_max3A_12 : vector<256xf32> to vector<256x1xf32>
    %sub3A = vector.broadcast %broadcast_in_dim3A : vector<256x1xf32> to vector<256x1024xf32>
    %sub3A_13 = arith.subf %mul3A_7, %sub3A : vector<256x1024xf32>
    %exp3A = math.exp %sub3A_13 : vector<256x1024xf32>
    %jit3A = arith.constant 0.000000e+00 : f32
    %broadcast_in_dim3A_14 = vector.broadcast %jit3A : f32 to vector<256x1024xf32>
    %select_n3A = arith.select %eq3A, %broadcast_in_dim3A_14, %exp3A : vector<256x1024xi1>, vector<256x1024xf32>
    %get3A_15 = arith.constant 0 : index
    %get3A_16 = arith.constant 0 : index
    %get3A_17 = vector.load %arg3[%get3A_15, %get3A_16] : memref<256x1024xf32, #tpu.memory_space<vmem>>, vector<256x1024xf32>
    %get3A_18 = arith.constant 0 : index
    %get3A_19 = arith.constant 0 : index
    %get3A_20 = vector.load %arg4[%get3A_18, %get3A_19] : memref<256x1xf32, #tpu.memory_space<vmem>>, vector<256x1xf32>
    %ge3A = vector.broadcast %get3A_20 : vector<256x1xf32> to vector<256x1024xf32>
    %ge3A_21 = arith.cmpf oge, %get3A_17, %ge3A : vector<256x1024xf32>
    %jit3A_22 = arith.constant 0.000000e+00 : f32
    %broadcast_in_dim3A_23 = vector.broadcast %jit3A_22 : f32 to vector<256x1024xf32>
    %select_n3A_24 = arith.select %ge3A_21, %select_n3A, %broadcast_in_dim3A_23 : vector<256x1024xi1>, vector<256x1024xf32>
    %reduce_sum3A = arith.constant dense<0.000000e+00> : vector<256xf32>
    %reduce_sum3A_25 = vector.multi_reduction <add>, %select_n3A_24, %reduce_sum3A [1] : vector<256x1024xf32> to vector<256xf32>
    %add3A_26 = arith.constant 9.99999993E-9 : f32
    %add3A_27 = vector.broadcast %add3A_26 : f32 to vector<256xf32>
    %add3A_28 = arith.addf %reduce_sum3A_25, %add3A_27 : vector<256xf32>
    %reduce_sum3A_29 = arith.constant dense<0.000000e+00> : vector<256xf32>
    %reduce_sum3A_30 = vector.multi_reduction <add>, %select_n3A, %reduce_sum3A_29 [1] : vector<256x1024xf32> to vector<256xf32>
    %add3A_31 = arith.constant 9.99999993E-9 : f32
    %add3A_32 = vector.broadcast %add3A_31 : f32 to vector<256xf32>
    %add3A_33 = arith.addf %reduce_sum3A_30, %add3A_32 : vector<256xf32>
    %log3A = math.log %add3A_28 : vector<256xf32>
    %log3A_34 = math.log %add3A_33 : vector<256xf32>
    %sub3A_35 = arith.subf %log3A, %log3A_34 : vector<256xf32>
    %reduce_sum3A_36 = vector.shape_cast %sub3A_35 : vector<256xf32> to vector<1x256xf32>
    %reduce_sum3A_37 = arith.constant dense<0.000000e+00> : vector<1xf32>
    %reduce_sum3A_38 = vector.multi_reduction <add>, %reduce_sum3A_36, %reduce_sum3A_37 [1] : vector<1x256xf32> to vector<1xf32>
    %reduce_sum3A_39 = vector.shape_cast %reduce_sum3A_38 : vector<1xf32> to vector<1x1xf32>
    %reduce_sum3A_40 = vector.extract %reduce_sum3A_39[0, 0] : f32 from vector<1x1xf32>
    %eq3A_41 = arith.constant 0 : i32
    %eq3A_42 = arith.cmpi eq, %arg0, %eq3A_41 : i32
    %convert_element_type3A = arith.extui %eq3A_42 : i1 to i32
    %cond3A = arith.constant 0 : i32
    %cond3A_43 = arith.cmpi ne, %convert_element_type3A, %cond3A : i32
    scf.if %cond3A_43 {
      %broadcast_in_dim3A_52 = arith.constant 0.000000e+00 : f32
      %broadcast_in_dim3A_53 = vector.broadcast %broadcast_in_dim3A_52 : f32 to vector<1x1xf32>
      %swap3A_54 = arith.constant 0 : index
      %swap3A_55 = arith.constant 0 : index
      %swap3A_56 = vector.load %arg5[%swap3A_54, %swap3A_55] : memref<1x1xf32, #tpu.memory_space<vmem>>, vector<1x1xf32>
      tpu.vector_store %arg5[%swap3A_54, %swap3A_55], %broadcast_in_dim3A_53 {strides = array<i32>} : memref<1x1xf32, #tpu.memory_space<vmem>>, vector<1x1xf32>,
    } else {
    }
    %get3A_44 = arith.constant 0 : index
    %get3A_45 = arith.constant 0 : index
    %get3A_46 = vector.load %arg5[%get3A_44, %get3A_45] : memref<1x1xf32, #tpu.memory_space<vmem>>, vector<1x1xf32>
    %neg3A = arith.constant 0.000000e+00 : f32
    %neg3A_47 = arith.subf %neg3A, %reduce_sum3A_40 : f32
    %div3A = arith.constant 1.024000e+03 : f32
    %div3A_48 = arith.divf %neg3A_47, %div3A : f32
    %reshape3A = vector.broadcast %div3A_48 : f32 to vector<1x1xf32>
    %add3A_49 = arith.addf %get3A_46, %reshape3A : vector<1x1xf32>
    %swap3A = arith.constant 0 : index
    %swap3A_50 = arith.constant 0 : index
    %swap3A_51 = vector.load %arg5[%swap3A, %swap3A_50] : memref<1x1xf32, #tpu.memory_space<vmem>>, vector<1x1xf32>
    tpu.vector_store %arg5[%swap3A, %swap3A_50], %add3A_49 {strides = array<i32>} : memref<1x1xf32, #tpu.memory_space<vmem>>, vector<1x1xf32>,
    return
  }
  func.func @transform_0(%arg0: i32) -> (i32, i32) {
    %c0_i32 = arith.constant 0 : i32
    %c0_i32_0 = arith.constant 0 : i32
    return %arg0, %c0_i32 : i32, i32
  }
  func.func @transform_1(%arg0: i32) -> (i32, i32) {
    %c0_i32 = arith.constant 0 : i32
    %c0_i32_0 = arith.constant 0 : i32
    %c0_i32_1 = arith.constant 0 : i32
    return %c0_i32, %c0_i32_0 : i32, i32
  }
  func.func @transform_2(%arg0: i32) -> (i32, i32) {
    %c0_i32 = arith.constant 0 : i32
    %c0_i32_0 = arith.constant 0 : i32
    return %arg0, %c0_i32 : i32, i32
  }
  func.func @transform_3(%arg0: i32) -> (i32, i32) {
    %c0_i32 = arith.constant 0 : i32
    %c0_i32_0 = arith.constant 0 : i32
    return %arg0, %c0_i32 : i32, i32
  }
  func.func @transform_4(%arg0: i32) -> (i32, i32) {
    %c0_i32 = arith.constant 0 : i32
    %c0_i32_0 = arith.constant 0 : i32
    %c0_i32_1 = arith.constant 0 : i32
    return %c0_i32, %c0_i32_0 : i32, i32
  }
}

</mosaic_0001>

<sc_bundles>
// kernel: kernel.7.cloned.1.call-start
scs
__scs_entry_jumppad:
0x0: {  	(pc) =	sbr.rel $0x88, $3  }
0x1: {  	(tag) =	ssettag $0x0;
	lr =	simm.s32 $0x1  }
0x2: {  	[smem:$0x3F9F] =	sst lr;
	_ =	strace $0xD0000000  }
0x3: {  	_ = 	snop  }
0x4: {  	_ = 	snop  }
0x5: {  	_ = 	snop  }
0x6: {  	_ = 	snop  }
0x7: {  	_ = 	snop  }
__scs_overlays_trampoline_lowered:
0x8: {  	[smem:$0x3FAE] =	sst s0  }
0x9: {  	[smem:$0x3FAF] =	sst s1  }
0xa: {  	[smem:$0x3FB0] =	sst s2  }
0xb: {  	[smem:$0x3FB1] =	sst s3  }
0xc: {  	[smem:$0x3FB2] =	sst s4  }
0xd: {  	[smem:$0x3FB3] =	sst s5  }
0xe: {  	[smem:$0x3FB4] =	sst s6  }
0xf: {  	[smem:$0x3FB5] =	sst s7  }
0x10: {  	[smem:$0x3FB6] =	sst s8  }
0x11: {  	[smem:$0x3FB7] =	sst s9;
	s0 =	simm.s32 @!p0 $0x0  }
0x12: {  	s1 =	sld [smem:$0x3F9D];
	s0 =	simm.s32 @p0 $0x1  }
0x13: {  	[smem:$0x3FB8] =	sst s0;
	s0 =	simm.s32 @!p1 $0x0  }
0x14: {  	s2 =	sld [smem:$0x3F9C];
	s0 =	simm.s32 @p1 $0x1  }
0x15: {  	[smem:$0x3FB9] =	sst s0;
	s0 =	simm.s32 @!p2 $0x0  }
0x16: {  	s3 =	sld [smem:$0x3FDB];
	s0 =	simm.s32 @p2 $0x1  }
0x17: {  	s4 =	simm.s32 $0x1BF5;
	[smem:$0x3FBB] =	sst s0  }
0x18: {  	s0 =	sld [smem:$0x3F9E];
	_ =	swait.ge [sflag:s4], $0x0  }
0x19: {  	s7 =	sld [smem:$0x3F9F]  }
0x1a: {  	s8 =	sadd.s32 $0xFFFFE003, lr  }
0x1b: {  	s9 =	sadd.s32 $0xFFFFFEF7, lr;
	s5 =	simm.s32 $0xFFFFFFFF;
	p2 =	slt.u32 s8, $0xFFFFF086  }
0x1c: {  	p1 =	slt.u32 s9, $0xF7A;
	s5 =	simm.s32 @!p2 $0x0  }
0x1d: {  	s5 =	simm.s32 @p1 $0x1;
	p0 =	seq.s32 s7, s2  }
0x1e: {  	s7 =	smul.u32 @!p0 $0xF7A, s2;
	p2 =	seq.s32 @!p0 s5, $0x0  }
0x1f: {  	s9 =	smul.u32 $0xF7A, s1;
	s8 =	simm.s32 @!p0 $0x1BF5;
	p2 =	por !p2, p0  }
0x20: {  	[sflag:s8] =	ssyncset.s32 @!p0 $0xFFFFF086;
	s6 =	sadd.s32 @!p0 s3, s7;
	s7 =	simm.s32 @!p0 $0x108  }
0x21: {  	s3 =	sadd.s32 s3, s9;
	s6 =	sadd.s32 @!p0 $0x88, s6;
	s7 =	simm.s32 @p2 $0x1082  }
0x22: {  	[simem:s7], [sflag:s8] =	dma.local @!p0 [hbm:s6], $0xF7A  }
0x23: {  	s9 =	sor.u32 $0xD0000000, s2;
	s6 =	simm.s32 $0x108;
	_ =	swait.ge @!p0 [sflag:s8], $0x0  }
0x24: {  	s3 =	sadd.s32 $0x88, s3;
	s6 =	simm.s32 @!p1 $0x1082;
	[sflag:s4] =	ssyncset.s32 $0xFFFFF086  }
0x25: {  	[simem:s6], [sflag:s4] =	dma.local [hbm:s3], $0xF7A  }
0x26: {  	[smem:$0x3F9F] =	sst s1;
	(tag) =	ssettag s2;
	_ =	strace s9  }
0x27: {  	s1 =	sld [smem:$0x3FAF]  }
0x28: {  	s2 =	sld [smem:$0x3FB0]  }
0x29: {  	s4 =	sld [smem:$0x3FB2]  }
0x2a: {  	p0 =	seq.s32 s5, $0x0;
	s5 =	sld [smem:$0x3FB3]  }
0x2b: {  	s6 =	sld [smem:$0x3FB4]  }
0x2c: {  	s7 =	sld [smem:$0x3FB5]  }
0x2d: {  	s3 =	simm.s32 $0x108;
	s8 =	sld [smem:$0x3FB6]  }
0x2e: {  	s3 =	simm.s32 @!p0 $0x1082;
	s9 =	sld [smem:$0x3FB7]  }
0x2f: {  	lr =	sadd.s32 s0, s3;
	s0 =	sld [smem:$0x3FAE]  }
0x30: {  	s3 =	sld [smem:$0x3FB1]  }
0x31: {  	[smem:$0x3FBA] =	sst s10  }
0x32: {  	s10 =	sld [smem:$0x3FB8];
	_ =	sdelay $0x3  }
0x33: {  	p0 =	seq.s32 s10, $0x1;
	s10 =	sld [smem:$0x3FBA];
	_ =	sdelay $0x3  }
0x34: {  	[smem:$0x3FBA] =	sst s10  }
0x35: {  	s10 =	sld [smem:$0x3FB9];
	_ =	sdelay $0x3  }
0x36: {  	p1 =	seq.s32 s10, $0x1;
	s10 =	sld [smem:$0x3FBA];
	_ =	sdelay $0x3  }
0x37: {  	[smem:$0x3FBA] =	sst s10  }
0x38: {  	s10 =	sld [smem:$0x3FBB]  }
0x39: {  	_ = 	snop;
	(pc) =	sbr.ind lr, $3  }
0x3a: {  	_ = 	snop  }
0x3b: {  	_ = 	snop  }
0x3c: {  	p2 =	seq.s32 s10, $0x1;
	s10 =	sld [smem:$0x3FBA]  }
0x3d: {  	_ =	shalt  }
0x3e: {  	_ =	shalt  }
0x3f: {  	_ =	shalt  }
0x40: {  	_ =	shalt  }
0x41: {  	_ =	shalt  }
0x42: {  	_ =	shalt  }
0x43: {  	_ =	shalt  }
0x44: {  	_ =	shalt  }
0x45: {  	_ =	shalt  }
0x46: {  	_ =	shalt  }
0x47: {  	_ =	shalt  }
0x48: {  	_ =	shalt  }
0x49: {  	_ =	shalt  }
0x4a: {  	_ =	shalt  }
0x4b: {  	_ =	shalt  }
0x4c: {  	_ =	shalt  }
0x4d: {  	_ =	shalt  }
0x4e: {  	_ =	shalt  }
0x4f: {  	_ =	shalt  }
0x50: {  	_ =	shalt  }
0x51: {  	_ =	shalt  }
0x52: {  	_ =	shalt  }
0x53: {  	_ =	shalt  }
0x54: {  	_ =	shalt  }
0x55: {  	_ =	shalt  }
0x56: {  	_ =	shalt  }
0x57: {  	_ =	shalt  }
0x58: {  	_ =	shalt  }
0x59: {  	_ =	shalt  }
0x5a: {  	_ =	shalt  }
0x5b: {  	_ =	shalt  }
0x5c: {  	_ =	shalt  }
0x5d: {  	_ =	shalt  }
0x5e: {  	_ =	shalt  }
0x5f: {  	_ =	shalt  }
0x60: {  	_ =	shalt  }
0x61: {  	_ =	shalt  }
0x62: {  	_ =	shalt  }
0x63: {  	_ =	shalt  }
0x64: {  	_ =	shalt  }
0x65: {  	_ =	shalt  }
0x66: {  	_ =	shalt  }
0x67: {  	_ =	shalt  }
0x68: {  	_ =	shalt  }
0x69: {  	_ =	shalt  }
0x6a: {  	_ =	shalt  }
0x6b: {  	_ =	shalt  }
0x6c: {  	_ =	shalt  }
0x6d: {  	_ =	shalt  }
0x6e: {  	_ =	shalt  }
0x6f: {  	_ =	shalt  }
0x70: {  	_ =	shalt  }
0x71: {  	_ =	shalt  }
0x72: {  	_ =	shalt  }
0x73: {  	_ =	shalt  }
0x74: {  	_ =	shalt  }
0x75: {  	_ =	shalt  }
0x76: {  	_ =	shalt  }
0x77: {  	_ =	shalt  }
0x78: {  	_ =	shalt  }
0x79: {  	_ =	shalt  }
0x7a: {  	_ =	shalt  }
0x7b: {  	_ =	shalt  }
0x7c: {  	_ =	shalt  }
0x7d: {  	_ =	shalt  }
0x7e: {  	_ =	shalt  }
0x7f: {  	_ =	shalt  }
0x80: {  	_ =	shalt  }
0x81: {  	_ =	shalt  }
0x82: {  	_ =	shalt  }
0x83: {  	_ =	shalt  }
0x84: {  	_ =	shalt  }
0x85: {  	_ =	shalt  }
0x86: {  	_ =	shalt  }
0x87: {  	_ =	shalt  }
.Lfunc_end0:
.L_simem_size_0:
called_computation_lowered:
.L_overlay_start_0:
0x88: {  	s2 =	sld [smem:$0x3FD9]  }
0x89: {  	s3 =	sld [smem:$0x3FFE];
	_ =	sdelay $0x1  }
0x8a: {  	s1 =	srdreg.scid  }
0x8b: {  	s0 =	sand.u32 $0x1, s1  }
0x8c: {  	s16 =	sshll.u32 s0, $0xA;
	s2 =	sadd.s32 s3, s2  }
0x8d: {  	s2 =	sadd.s32 s2, s16  }
0x8e: {  	[smem:$0x3FC6] =	sst s2  }
0x8f: {  	_ = 	snop  }
0x90: {  	(tm) =	ssettm $0x1  }
0x91: {  	s17 =	sld [smem:$0x3FFB];
	_ =	sdelay $0x3  }
0x92: {  	_ =	strace s17  }
0x93: {  	s2 =	sld [smem:$0x3FFC];
	_ =	sdelay $0x3  }
0x94: {  	_ =	strace s2  }
0x95: {  	s2 =	sld [smem:$0x3FFD];
	_ =	sdelay $0x3  }
0x96: {  	_ =	strace s2  }
0x97: {  	_ =	strace $0x8FFFFFFF  }
0x98: {  	s18 =	sld [smem:$0x3FDB];
	_ =	sdelay $0x1  }
0x99: {  	s19 =	simm.s32 $_scs_section_size  }
0x9a: {  	s4 =	simm.s32 $_size__tile_overlayer_lowered;
	s5 =	simm.s32 $_tile_overlayer_lowered  }
0x9b: {  	s22 =	simm.s32 $0x1BFF;
	s21 =	sshll.u32 s5, $0x1;
	s2 =	sadd.s32 s19, s18  }
0x9c: {  	s6 =	simm.s32 $0x0;
	s20 =	sshll.u32 s4, $0x1;
	s4 =	sadd.s32 s21, s2  }
0x9d: {  	[timem:s6], [sflag:s22] =	dma.local [hbm:s4], s20  }
0x9e: {  	_ =	swait.ge [sflag:s22], s20  }
0x9f: {  	s3 =	ssub.s32 $0x0, s20;
	[sflag:s22] =	ssyncset.done $0x0  }
0xa0: {  	[sflag:s22] =	ssyncadd.s32 s3;
	_ =	sdelay $0x1  }
0xa1: {  	s23 =	simm.s32 $0x1B8B  }
0xa2: {  	_ =	swait.ge [sflag:s23], $0x1  }
0xa3: {  	[sflag:s23] =	ssyncset.done $0x0  }
0xa4: {  	s25 =	simm.s32 $0x1B8E;
	s24 =	sld [smem:$0x3FFE];
	[sflag:s23] =	ssyncadd.s32 $0xFFFFFFFF  }
0xa5: {  	s26 =	simm.s32 $execute0_lowered;
	[smem:$0x3FD2] =	sst s25  }
0xa6: {  	s4 =	sshll.u32 s26, $0x1;
	_ =	strace $0x80000046;
	[dreg:$0x1] =	wrdreg $0xFFFFFFFF  }
0xa7: {  	s28 =	simm.s32 $_size_execute0_lowered;
	s2 =	sadd.s32 s2, s4;
	[dreg:$0x0] =	wrdreg $0x0  }
0xa8: {  	s4 =	sshll.u32 s28, $0x1;
	[dreg:$0x2] =	wrdreg s2  }
0xa9: {  	[dreg:$0x3] =	wrdreg s4  }
0xaa: {  	[dreg:$0x4] =	wrdreg $0xC0  }
0xab: {  	_ =	task [dreg:s6], $0x5FFFF  }
0xac: {  	[dreg:$0x1] =	wrdreg $0xFFFFFFFF  }
0xad: {  	[dreg:$0x0] =	wrdreg $0x60  }
0xae: {  	[dreg:$0x2] =	wrdreg s24  }
0xaf: {  	[dreg:$0x3] =	wrdreg $0x9  }
0xb0: {  	_ =	task.clear_ibuf [dreg:s6], $0x4FFFF;
	_ =	strace $0x90000046  }
0xb1: {  	s29 =	simm.s32 $0x9;
	_ =	strace $0x80000048  }
0xb2: {  	_ =	swait.ge [sflag:s29], $0x1  }
0xb3: {  	[sflag:s29] =	ssyncadd.s32 $0xFFFFFFFF  }
0xb4: {  	_ =	strace $0x90000048  }
0xb5: {  	_ =	sfence  }
0xb6: {  	s30 =	sld [smem:$0x0];
	_ =	sdelay $0x2  }
0xb7: {  	s31 =	sshll.u32 s1, $0xD;
	s1 =	sshrl.u32 s1, $0x2  }
0xb8: {  	s3 =	sand.u32 $0x4000, s31;
	s1 =	sadd.s32 s1, s30  }
0xb9: {  	s0 =	sor.u32 s3, s0;
	s1 =	sshll.u32 s1, $0x11  }
0xba: {  	s0 =	sor.u32 s1, s0  }
0xbb: {  	s0 =	sadd.s32 $0x8F2B, s0  }
0xbc: {  	[sflag:s0] =	ssyncadd.remote.s32 $0x1  }
0xbd: {  	_ =	sfence.sel $0xFFFF  }
0xbe: {  	[dreg:$0x0] =	wrdreg $0xFFFFFFFF;
	(pc) =	sbr.abs _section_cstart, $3  }
0xbf: {  	[dreg:$0x1] =	wrdreg $0xFFFFFFFF  }
0xc0: {  	_ =	task.clear_ibuf [dreg:s6], $0x2FFFF;
	_ =	strace $0x9FFFFFFF  }
0xc1: {  	(tm) =	ssettm $0x7FFFFFFF  }
tec
execute0_lowered:
.L_overlay_start_1:
0x0: {  	(tag) =	ssettag $0x1  }
0x1: {  	v0 =	vlaneseq.u32;
	v1 =	vimm.s32 $0x0;
	vm0 =	vcmask $0x704  }
0x2: {  	v2 =	vimm.s32 $0x1;
	v3 =	vimm.s32 $0x2;
	v4 =	vimm.s32 $0x3  }
0x3: {  	v5 =	vimm.s32 $0x4;
	v6 =	vimm.s32 $0x5;
	v7 =	vimm.s32 $0x6  }
0x4: {  	s3 =	rddreg [dreg:$0x0];
	v8 =	vimm.s32 $0x7;
	v9 =	vimm.s32 $0x8;
	v10 =	vimm.s32 $0x9  }
0x5: {  	s0 =	rddreg [dreg:$0x1];
	s4 =	srdreg.scid;
	v11 =	vimm.s32 $0xA;
	v12 =	vimm.s32 $0xB;
	v13 =	vimm.s32 $0xC  }
0x6: {  	s2 =	simm.s32 $0x0;
	s1 =	stileid.u32;
	v14 =	vimm.s32 $0xD;
	v15 =	vimm.s32 $0xE;
	v16 =	vimm.s32 $0xF;
	s4 =	sand.u32 $0x1, s4  }
0x7: {  	v17 =	vimm.s32 $0x10;
	v18 =	vimm.s32 $0x11;
	v19 =	vimm.s32 $0x12;
	[smem:$0x7FF] =	sst s2;
	s5 =	sshll.u32 s1, $0x6;
	s6 =	sshll.u32 s4, $0x5  }
0x8: {  	v20 =	vimm.s32 $0x13;
	v21 =	vimm.s32 $0x14;
	v22 =	vimm.s32 $0x15;
	s8 =	simm.s32 $0x0;
	_ =	strace $0x80000047;
	s5 =	sor.u32 s6, s5  }
0x9: {  	v23 =	vimm.s32 $0x16;
	v24 =	vimm.s32 $0x17;
	v25 =	vimm.s32 $0x18;
	s4 =	ssub.s32 $0x2, s4;
	s6 =	sshll.u32 s5, $0x7;
	s5 =	sshrl.u32 s5, $0x3  }
0xa: {  	v26 =	vimm.s32 $0x19;
	v27 =	vimm.s32 $0x1A;
	v0 =	vmul.u32 $0xFFFFFFFF, v0;
	s7 =	sshrl.u32 s4, $0x1;
	s6 =	sadd.s32 s6, s3;
	s5 =	sadd.s32 s5, s3  }
0xb: {  	v28 =	vimm.s32 $0x1B;
	v29 =	vimm.s32 $0x1C;
	v30 =	vimm.s32 $0x1D;
	s7 =	ssub.s32 s4, s7;
	s3 =	sadd.s32 $0x800, s6;
	s4 =	sadd.s32 $0x20800, s5  }
0xc: {  	v31 =	vimm.s32 $0x1E;
	v32 =	vimm.s32 $0x1F;
	v0 =	vadd.s32 $0xF, v0;
	s5 =	smax.u32 s7, $0x1;
	s6 =	simm.s32 $0x1;
	s7 =	simm.s32 $0x8000  }
.LBB2_1:
0xd: {  	[tilespmem:s2], [sflag:$0x1] =	stream.linear.gather [hbm4b:s3+s2], $0x8000, $0x38;
	[tilespmem:$0x8080] =	vst v63  }
0xe: {  	_ =	swait.ge [sflag:s6], $0x8000  }
0xf: {  	[sflag:s6] =	ssyncset.done $0x0  }
0x10: {  	[sflag:s6] =	ssyncadd.s32 $0xFFFF8000  }
0x11: {  	v33 =	vld [tilespmem:$0x0]  }
0x12: {  	v34 =	vld [tilespmem:$0x80]  }
0x13: {  	v35 =	vld [tilespmem:$0x100]  }
0x14: {  	v36 =	vld [tilespmem:$0x180]  }
0x15: {  	v37 =	vld [tilespmem:$0x200]  }
0x16: {  	s9 =	simm.s32 $0x10;
	s10 =	simm.s32 $0x80;
	v42 =	vld [tilespmem:$0x280];
	(xrf1) =	vsort.ascd.msk.f32 $0xffff, v33, v33  }
0x17: {  	s11 =	sand.u32 $0x70, s9;
	s12 =	sand.u32 $0x1C00, s10;
	v43 =	vld [tilespmem:$0x300];
	(xrf1) =	vsort.ascd.msk.f32 $0xffff, v34, v34  }
0x18: {  	s11 =	sor.u32 s11, s12;
	v44 =	vld [tilespmem:$0x380];
	(xrf1) =	vsort.ascd.msk.f32 $0xffff, v35, v35  }
0x19: {  	v45 =	vld [tilespmem:s11+$0x0];
	(xrf1) =	vsort.ascd.msk.f32 $0xffff, v36, v36  }
0x1a: {  	v46 =	vld [tilespmem:s11+$0x80];
	(xrf1) =	vsort.ascd.msk.f32 $0xffff, v37, v37  }
0x1b: {  	v47 =	vld [tilespmem:s11+$0x100];
	(xrf1) =	vsort.ascd.msk.f32 $0xffff, v42, v42  }
0x1c: {  	v48 =	vld [tilespmem:s11+$0x180];
	(xrf1) =	vsort.ascd.msk.f32 $0xffff, v43, v43  }
0x1d: {  	v49 =	vld [tilespmem:s11+$0x200];
	(xrf1) =	vsort.ascd.msk.f32 $0xffff, v44, v44  }
0x1e: {  	s9 =	sor.u32 s10, s9;
	v38 =	vld [tilespmem:s11+$0x280];
	(xrf1) =	vsort.ascd.msk.f32 $0xffff, v45, v45  }
0x1f: {  	s9 =	sor.u32 $0x380, s9;
	v50 =	vld [tilespmem:s11+$0x300];
	(xrf1) =	vsort.ascd.msk.f32 $0xffff, v46, v46  }
0x20: {  	s24 =	simm.s32 $0x20;
	s25 =	simm.s32 $0x100;
	v51 =	vld [tilespmem:s9+$0x0];
	(xrf1) =	vsort.ascd.msk.f32 $0xffff, v47, v47  }
0x21: {  	s26 =	sand.u32 $0x70, s24;
	s28 =	sand.u32 $0x1C00, s25;
	(xrf1) =	vsort.ascd.msk.f32 $0xffff, v48, v48  }
0x22: {  	s11 =	sor.u32 s26, s28;
	(xrf1) =	vsort.ascd.msk.f32 $0xffff, v49, v49  }
0x23: {  	v52 =	vld [tilespmem:s11+$0x0];
	(xrf1) =	vsort.ascd.msk.f32 $0xffff, v38, v38  }
0x24: {  	v54 =	vld [tilespmem:s11+$0x80];
	v53, _, _ =	vpop (xrf1);
	(xrf1) =	vsort.ascd.msk.f32 $0xffff, v50, v50  }
0x25: {  	v56 =	vld [tilespmem:s11+$0x100];
	v55, _, _ =	vpop (xrf1);
	(xrf1) =	vsort.ascd.msk.f32 $0xffff, v51, v51  }
0x26: {  	v39 =	vld [tilespmem:s11+$0x180];
	v57, _, _ =	vpop (xrf1)  }
0x27: {  	v41 =	vld [tilespmem:s11+$0x200];
	v40, _, _ =	vpop (xrf1)  }
0x28: {  	s9 =	sor.u32 s25, s24;
	v43 =	vld [tilespmem:s11+$0x280];
	(xrf1) =	vsort.ascd.msk.f32 $0xffff, v52, v52;
	v42, _, _ =	vpop (xrf1)  }
0x29: {  	s9 =	sor.u32 $0x380, s9;
	v44 =	vld [tilespmem:s11+$0x300];
	(xrf1) =	vsort.ascd.msk.f32 $0xffff, v54, v54;
	v58, _, _ =	vpop (xrf1)  }
0x2a: {  	v45 =	vld [tilespmem:s9+$0x0];
	(xrf1) =	vsort.ascd.msk.f32 $0xffff, v56, v56;
	v59, _, _ =	vpop (xrf1)  }
0x2b: {  	(xrf1) =	vsort.ascd.msk.f32 $0xffff, v39, v39;
	v37, _, _ =	vpop (xrf1)  }
0x2c: {  	(xrf1) =	vsort.ascd.msk.f32 $0xffff, v41, v41;
	v60, _, _ =	vpop (xrf1)  }
0x2d: {  	v61, _, _ =	vpop (xrf1);
	(xrf1) =	vsort.ascd.msk.f32 $0xffff, v43, v43;
	v39 =	vperm.xlane v60, v0  }
0x2e: {  	v62, _, _ =	vpop (xrf1);
	(xrf1) =	vsort.ascd.msk.f32 $0xffff, v44, v44;
	v41 =	vperm.xlane v61, v0  }
0x2f: {  	v63, _, _ =	vpop (xrf1);
	(xrf1) =	vsort.ascd.msk.f32 $0xffff, v45, v45;
	v34 =	vmax.f32 v53, v39;
	v47 =	vperm.xlane v62, v0  }
0x30: {  	s29 =	simm.s32 $0x30;
	s9 =	simm.s32 $0x180;
	v48, _, _ =	vpop (xrf1);
	v36 =	vmax.f32 v55, v41;
	v49 =	vperm.xlane v63, v0;
	(xrf1) =	vsort.ascd.msk.f32 $0xffff, v34, v34  }
0x31: {  	s30 =	sand.u32 $0x70, s29;
	s31 =	sand.u32 $0x1C00, s9;
	v50, _, _ =	vpop (xrf1);
	v38 =	vmax.f32 v57, v47;
	v51 =	vperm.xlane v48, v0;
	(xrf1) =	vsort.ascd.msk.f32 $0xffff, v36, v36  }
0x32: {  	s11 =	sor.u32 s30, s31;
	v52, _, _ =	vpop (xrf1);
	v40 =	vmax.f32 v40, v49;
	v34 =	vperm.xlane v50, v0;
	(xrf1) =	vsort.ascd.msk.f32 $0xffff, v38, v38  }
0x33: {  	v54 =	vld [tilespmem:s11+$0x0];
	v53, _, _ =	vpop (xrf1);
	v39 =	vmax.f32 v42, v51;
	v36 =	vperm.xlane v52, v0;
	(xrf1) =	vsort.ascd.msk.f32 $0xffff, v40, v40  }
0x34: {  	v55 =	vld [tilespmem:s11+$0x80];
	v33 =	vmax.f32 v58, v34;
	v56 =	vperm.xlane v53, v0;
	(xrf1) =	vsort.ascd.msk.f32 $0xffff, v39, v39  }
0x35: {  	v57 =	vld [tilespmem:s11+$0x100];
	v35 =	vmax.f32 v59, v36;
	(xrf1) =	vsort.ascd.msk.f32 $0xffff, v33, v33  }
0x36: {  	v58 =	vld [tilespmem:s11+$0x180];
	v59, _, _ =	vpop (xrf1);
	v34 =	vmax.f32 v37, v56;
	(xrf1) =	vsort.ascd.msk.f32 $0xffff, v35, v35  }
0x37: {  	v60 =	vld [tilespmem:s11+$0x200];
	v61, _, _ =	vpop (xrf1);
	(xrf1) =	vsort.ascd.msk.f32 $0xffff, v34, v34  }
0x38: {  	s10 =	sor.u32 s9, s29;
	v62 =	vld [tilespmem:s11+$0x280];
	v37, _, _ =	vpop (xrf1);
	(xrf1) =	vsort.ascd.msk.f32 $0xffff, v54, v54  }
0x39: {  	s10 =	sor.u32 $0x380, s10;
	v63 =	vld [tilespmem:s11+$0x300];
	v38, _, _ =	vpop (xrf1);
	(xrf1) =	vsort.ascd.msk.f32 $0xffff, v55, v55  }
0x3a: {  	v39 =	vld [tilespmem:s10+$0x0];
	v36, _, _ =	vpop (xrf1);
	(xrf1) =	vsort.ascd.msk.f32 $0xffff, v57, v57  }
0x3b: {  	(xrf1) =	vsort.ascd.msk.f32 $0xffff, v58, v58;
	v35, _, _ =	vpop (xrf1)  }
0x3c: {  	(xrf1) =	vsort.ascd.msk.f32 $0xffff, v60, v60;
	v34, _, _ =	vpop (xrf1)  }
0x3d: {  	v40 =	vperm.xlane v59, v0;
	(xrf1) =	vsort.ascd.msk.f32 $0xffff, v62, v62;
	v33, _, _ =	vpop (xrf1)  }
0x3e: {  	s10 =	simm.s32 $0x40;
	v41 =	vperm.xlane v61, v0;
	(xrf1) =	vsort.ascd.msk.f32 $0xffff, v63, v63;
	v42, _, _ =	vpop (xrf1)  }
.LBB2_2:
0x3f: {  	p0 =	sne.s32 s10, $0x3F0;
	(xrf1) =	vsort.ascd.msk.f32 $0xffff, v39, v39;
	v42 =	vmax.f32 v42, v40;
	v43 =	vperm.xlane v37, v0;
	v40, _, _ =	vpop (xrf1)  }
0x40: {  	s9 =	sadd.s32 $0x80, s9;
	v38 =	vperm.xlane v38, v0;
	v40 =	vmax.f32 v40, v41;
	(xrf1) =	vsort.ascd.msk.f32 $0xffff, v42, v42;
	v39, _, _ =	vpop (xrf1)  }
0x41: {  	s11 =	sand.u32 $0x70, s10;
	s12 =	sand.u32 $0x1C00, s9;
	v42 =	vperm.xlane v36, v0;
	v41 =	vmax.f32 v39, v43;
	(xrf1) =	vsort.ascd.msk.f32 $0xffff, v40, v40;
	v39, _, _ =	vpop (xrf1)  }
0x42: {  	s11 =	sor.u32 s11, s12;
	v43 =	vperm.xlane v35, v0;
	v38 =	vmax.f32 v39, v38;
	(xrf1) =	vsort.ascd.msk.f32 $0xffff, v41, v41;
	v37, _, _ =	vpop (xrf1)  }
0x43: {  	v34 =	vperm.xlane v34, v0;
	v39 =	vld [tilespmem:s11+$0x0];
	v40 =	vmax.f32 v37, v42;
	(xrf1) =	vsort.ascd.msk.f32 $0xffff, v38, v38;
	v37, _, _ =	vpop (xrf1)  }
0x44: {  	v33 =	vperm.xlane v33, v0;
	v38 =	vld [tilespmem:s11+$0x80];
	v37 =	vmax.f32 v37, v43;
	(xrf1) =	vsort.ascd.msk.f32 $0xffff, v40, v40;
	v36, _, _ =	vpop (xrf1)  }
0x45: {  	v40 =	vld [tilespmem:s11+$0x100];
	v34 =	vmax.f32 v36, v34;
	(xrf1) =	vsort.ascd.msk.f32 $0xffff, v37, v37;
	v35, _, _ =	vpop (xrf1)  }
0x46: {  	v41 =	vld [tilespmem:s11+$0x180];
	v42, _, _ =	vpop (xrf1);
	v33 =	vmax.f32 v35, v33;
	(xrf1) =	vsort.ascd.msk.f32 $0xffff, v34, v34  }
0x47: {  	v34 =	vld [tilespmem:s11+$0x200];
	v43, _, _ =	vpop (xrf1);
	(xrf1) =	vsort.ascd.msk.f32 $0xffff, v33, v33  }
0x48: {  	s12 =	sor.u32 s9, s10;
	v33 =	vld [tilespmem:s11+$0x280];
	(xrf1) =	vsort.ascd.msk.f32 $0xffff, v39, v39;
	v37, _, _ =	vpop (xrf1)  }
0x49: {  	v44 =	vld [tilespmem:s11+$0x300];
	s11 =	sor.u32 $0x380, s12;
	(xrf1) =	vsort.ascd.msk.f32 $0xffff, v38, v38;
	v38, _, _ =	vpop (xrf1)  }
.Ltmp0:
0x4a: {  	v39 =	vld [tilespmem:s11+$0x0];
	(xrf1) =	vsort.ascd.msk.f32 $0xffff, v40, v40;
	v36, _, _ =	vpop (xrf1);
	(pc) =	sbr.rel @p0 .LBB2_2-.Ltmp0, $4  }
0x4b: {  	(xrf1) =	vsort.ascd.msk.f32 $0xffff, v41, v41;
	v35, _, _ =	vpop (xrf1)  }
0x4c: {  	(xrf1) =	vsort.ascd.msk.f32 $0xffff, v34, v34;
	v34, _, _ =	vpop (xrf1)  }
0x4d: {  	v40 =	vperm.xlane v42, v0;
	(xrf1) =	vsort.ascd.msk.f32 $0xffff, v33, v33;
	v33, _, _ =	vpop (xrf1)  }
0x4e: {  	s10 =	sadd.s32 $0x10, s10;
	v41 =	vperm.xlane v43, v0;
	(xrf1) =	vsort.ascd.msk.f32 $0xffff, v44, v44;
	v42, _, _ =	vpop (xrf1)  }
0x4f: {  	(xrf1) =	vsort.ascd.msk.f32 $0xffff, v39, v39;
	v45 =	vmax.f32 v42, v40;
	v37 =	vperm.xlane v37, v0;
	v46, _, _ =	vpop (xrf1)  }
0x50: {  	v38 =	vperm.xlane v38, v0;
	v40 =	vmax.f32 v46, v41;
	(xrf1) =	vsort.ascd.msk.f32 $0xffff, v45, v45;
	v47, _, _ =	vpop (xrf1)  }
0x51: {  	v36 =	vperm.xlane v36, v0;
	v37 =	vmax.f32 v47, v37;
	(xrf1) =	vsort.ascd.msk.f32 $0xffff, v40, v40;
	v48, _, _ =	vpop (xrf1)  }
0x52: {  	v35 =	vperm.xlane v35, v0;
	v38 =	vmax.f32 v48, v38;
	(xrf1) =	vsort.ascd.msk.f32 $0xffff, v37, v37;
	v49, _, _ =	vpop (xrf1)  }
0x53: {  	v34 =	vperm.xlane v34, v0;
	v36 =	vmax.f32 v49, v36;
	(xrf1) =	vsort.ascd.msk.f32 $0xffff, v38, v38;
	v50, _, _ =	vpop (xrf1)  }
0x54: {  	v33 =	vperm.xlane v33, v0;
	v35 =	vmax.f32 v50, v35;
	(xrf1) =	vsort.ascd.msk.f32 $0xffff, v36, v36;
	v51, _, _ =	vpop (xrf1)  }
0x55: {  	v34 =	vmax.f32 v51, v34;
	(xrf1) =	vsort.ascd.msk.f32 $0xffff, v35, v35;
	v52, _, _ =	vpop (xrf1)  }
0x56: {  	v53, _, _ =	vpop (xrf1);
	v33 =	vmax.f32 v52, v33;
	(xrf1) =	vsort.ascd.msk.f32 $0xffff, v34, v34  }
0x57: {  	v54, _, _ =	vpop (xrf1);
	(xrf1) =	vsort.ascd.msk.f32 $0xffff, v33, v33  }
0x58: {  	v55, _, _ =	vpop (xrf1)  }
0x59: {  	v56, _, _ =	vpop (xrf1)  }
0x5a: {  	v57, _, _ =	vpop (xrf1)  }
0x5b: {  	v58, _, _ =	vpop (xrf1)  }
0x5c: {  	v59, _, _ =	vpop (xrf1)  }
0x5d: {  	v36 =	vperm.xlane v53, v0;
	v60, _, _ =	vpop (xrf1)  }
0x5e: {  	v34 =	vperm.xlane v54, v0;
	v61, _, _ =	vpop (xrf1)  }
0x5f: {  	v33 =	vperm.xlane v55, v0;
	v36 =	vmax.f32 v61, v36;
	v62, _, _ =	vpop (xrf1)  }
0x60: {  	v35 =	vperm.xlane v56, v0;
	v34 =	vmax.f32 v62, v34;
	(xrf1) =	vsort.ascd.msk.f32 $0xffff, v36, v36;
	v63, _, _ =	vpop (xrf1)  }
0x61: {  	v41 =	vperm.xlane v57, v0;
	v33 =	vmax.f32 v63, v33;
	(xrf1) =	vsort.ascd.msk.f32 $0xffff, v34, v34;
	v42, _, _ =	vpop (xrf1)  }
0x62: {  	v43 =	vperm.xlane v58, v0;
	v34 =	vmax.f32 v42, v35;
	(xrf1) =	vsort.ascd.msk.f32 $0xffff, v33, v33;
	v44, _, _ =	vpop (xrf1)  }
0x63: {  	v45 =	vperm.xlane v59, v0;
	v33 =	vmax.f32 v44, v41;
	(xrf1) =	vsort.ascd.msk.f32 $0xffff, v34, v34;
	v46, _, _ =	vpop (xrf1)  }
0x64: {  	v47 =	vperm.xlane v60, v0;
	v34 =	vmax.f32 v46, v43;
	(xrf1) =	vsort.ascd.msk.f32 $0xffff, v33, v33;
	v48, _, _ =	vpop (xrf1)  }
0x65: {  	v33 =	vmax.f32 v48, v45;
	(xrf1) =	vsort.ascd.msk.f32 $0xffff, v34, v34;
	v49, _, _ =	vpop (xrf1)  }
0x66: {  	v34 =	vmax.f32 v49, v47;
	(xrf1) =	vsort.ascd.msk.f32 $0xffff, v33, v33  }
0x67: {  	(xrf1) =	vsort.ascd.msk.f32 $0xffff, v34, v34;
	_ =	sdelay $0x6  }
0x68: {  	v50, _, _ =	vpop (xrf1)  }
0x69: {  	v51, _, _ =	vpop (xrf1);
	[tilespmem:v1+s7+$0x0] =	vst.idx.msk vm0, v50  }
0x6a: {  	v52, _, _ =	vpop (xrf1);
	[tilespmem:v2+s7+$0x0] =	vst.idx.msk vm0, v51  }
0x6b: {  	v53, _, _ =	vpop (xrf1);
	[tilespmem:v3+s7+$0x0] =	vst.idx.msk vm0, v52  }
0x6c: {  	v54, _, _ =	vpop (xrf1);
	[tilespmem:v4+s7+$0x0] =	vst.idx.msk vm0, v53  }
0x6d: {  	v55, _, _ =	vpop (xrf1);
	[tilespmem:v5+s7+$0x0] =	vst.idx.msk vm0, v54  }
0x6e: {  	v56, _, _ =	vpop (xrf1);
	[tilespmem:v6+s7+$0x0] =	vst.idx.msk vm0, v55  }
0x6f: {  	v57, _, _ =	vpop (xrf1);
	[tilespmem:v7+s7+$0x0] =	vst.idx.msk vm0, v56  }
0x70: {  	[tilespmem:v8+s7+$0x0] =	vst.idx.msk vm0, v57  }
0x71: {  	v33 =	vld [tilespmem:$0x2000]  }
0x72: {  	v34 =	vld [tilespmem:$0x2080]  }
0x73: {  	v58 =	vld [tilespmem:$0x2100]  }
0x74: {  	v59 =	vld [tilespmem:$0x2180]  }
0x75: {  	v60 =	vld [tilespmem:$0x2200]  }
0x76: {  	s9 =	simm.s32 $0x10;
	s10 =	simm.s32 $0x80;
	v61 =	vld [tilespmem:$0x2280];
	(xrf1) =	vsort.ascd.msk.f32 $0xffff, v33, v33  }
0x77: {  	s9 =	sand.u32 $0x70, s9;
	s10 =	sand.u32 $0x1C00, s10;
	v62 =	vld [tilespmem:$0x2300];
	(xrf1) =	vsort.ascd.msk.f32 $0xffff, v34, v34  }
0x78: {  	s9 =	sor.u32 s9, s10;
	v63 =	vld [tilespmem:$0x2380];
	(xrf1) =	vsort.ascd.msk.f32 $0xffff, v58, v58  }
0x79: {  	v40 =	vld [tilespmem:s9+$0x2000];
	(xrf1) =	vsort.ascd.msk.f32 $0xffff, v59, v59  }
0x7a: {  	v41 =	vld [tilespmem:s9+$0x2080];
	(xrf1) =	vsort.ascd.msk.f32 $0xffff, v60, v60  }
0x7b: {  	v42 =	vld [tilespmem:s9+$0x2100];
	(xrf1) =	vsort.ascd.msk.f32 $0xffff, v61, v61  }
0x7c: {  	v43 =	vld [tilespmem:s9+$0x2180];
	(xrf1) =	vsort.ascd.msk.f32 $0xffff, v62, v62  }
0x7d: {  	v44 =	vld [tilespmem:s9+$0x2200];
	(xrf1) =	vsort.ascd.msk.f32 $0xffff, v63, v63  }
0x7e: {  	v45 =	vld [tilespmem:s9+$0x2280];
	(xrf1) =	vsort.ascd.msk.f32 $0xffff, v40, v40  }
0x7f: {  	v46 =	vld [tilespmem:s9+$0x2300];
	(xrf1) =	vsort.ascd.msk.f32 $0xffff, v41, v41  }
0x80: {  	s29 =	simm.s32 $0x20;
	s30 =	simm.s32 $0x100;
	v47 =	vld [tilespmem:s9+$0x2380];
	(xrf1) =	vsort.ascd.msk.f32 $0xffff, v42, v42  }
0x81: {  	s10 =	sand.u32 $0x1C00, s30;
	s9 =	sand.u32 $0x70, s29;
	(xrf1) =	vsort.ascd.msk.f32 $0xffff, v43, v43  }
0x82: {  	s9 =	sor.u32 s9, s10;
	(xrf1) =	vsort.ascd.msk.f32 $0xffff, v44, v44  }
0x83: {  	v48 =	vld [tilespmem:s9+$0x2000];
	(xrf1) =	vsort.ascd.msk.f32 $0xffff, v45, v45  }
0x84: {  	v50 =	vld [tilespmem:s9+$0x2080];
	v49, _, _ =	vpop (xrf1);
	(xrf1) =	vsort.ascd.msk.f32 $0xffff, v46, v46  }
0x85: {  	v52 =	vld [tilespmem:s9+$0x2100];
	v51, _, _ =	vpop (xrf1);
	(xrf1) =	vsort.ascd.msk.f32 $0xffff, v47, v47  }
0x86: {  	v54 =	vld [tilespmem:s9+$0x2180];
	v53, _, _ =	vpop (xrf1)  }
0x87: {  	v56 =	vld [tilespmem:s9+$0x2200];
	v55, _, _ =	vpop (xrf1)  }
0x88: {  	v43 =	vld [tilespmem:s9+$0x2280];
	(xrf1) =	vsort.ascd.msk.f32 $0xffff, v48, v48;
	v57, _, _ =	vpop (xrf1)  }
0x89: {  	v44 =	vld [tilespmem:s9+$0x2300];
	(xrf1) =	vsort.ascd.msk.f32 $0xffff, v50, v50;
	v58, _, _ =	vpop (xrf1)  }
0x8a: {  	v45 =	vld [tilespmem:s9+$0x2380];
	(xrf1) =	vsort.ascd.msk.f32 $0xffff, v52, v52;
	v59, _, _ =	vpop (xrf1)  }
0x8b: {  	(xrf1) =	vsort.ascd.msk.f32 $0xffff, v54, v54;
	v37, _, _ =	vpop (xrf1)  }
0x8c: {  	v60, _, _ =	vpop (xrf1);
	(xrf1) =	vsort.ascd.msk.f32 $0xffff, v56, v56  }
0x8d: {  	v61, _, _ =	vpop (xrf1);
	(xrf1) =	vsort.ascd.msk.f32 $0xffff, v43, v43;
	v39 =	vperm.xlane v60, v0  }
0x8e: {  	v62, _, _ =	vpop (xrf1);
	(xrf1) =	vsort.ascd.msk.f32 $0xffff, v44, v44;
	v41 =	vperm.xlane v61, v0  }
0x8f: {  	v63, _, _ =	vpop (xrf1);
	(xrf1) =	vsort.ascd.msk.f32 $0xffff, v45, v45;
	v34 =	vmax.f32 v49, v39;
	v47 =	vperm.xlane v62, v0  }
0x90: {  	s31 =	simm.s32 $0x30;
	s9 =	simm.s32 $0x180;
	v48, _, _ =	vpop (xrf1);
	v36 =	vmax.f32 v51, v41;
	v49 =	vperm.xlane v63, v0;
	(xrf1) =	vsort.ascd.msk.f32 $0xffff, v34, v34  }
0x91: {  	s10 =	sand.u32 $0x70, s31;
	s11 =	sand.u32 $0x1C00, s9;
	v50, _, _ =	vpop (xrf1);
	v38 =	vmax.f32 v53, v47;
	v51 =	vperm.xlane v48, v0;
	(xrf1) =	vsort.ascd.msk.f32 $0xffff, v36, v36  }
0x92: {  	s10 =	sor.u32 s10, s11;
	v52, _, _ =	vpop (xrf1);
	v40 =	vmax.f32 v55, v49;
	v34 =	vperm.xlane v50, v0;
	(xrf1) =	vsort.ascd.msk.f32 $0xffff, v38, v38  }
0x93: {  	v54 =	vld [tilespmem:s10+$0x2000];
	v53, _, _ =	vpop (xrf1);
	v39 =	vmax.f32 v57, v51;
	v36 =	vperm.xlane v52, v0;
	(xrf1) =	vsort.ascd.msk.f32 $0xffff, v40, v40  }
0x94: {  	v55 =	vld [tilespmem:s10+$0x2080];
	v33 =	vmax.f32 v58, v34;
	v56 =	vperm.xlane v53, v0;
	(xrf1) =	vsort.ascd.msk.f32 $0xffff, v39, v39  }
0x95: {  	v57 =	vld [tilespmem:s10+$0x2100];
	v35 =	vmax.f32 v59, v36;
	(xrf1) =	vsort.ascd.msk.f32 $0xffff, v33, v33  }
0x96: {  	v58 =	vld [tilespmem:s10+$0x2180];
	v59, _, _ =	vpop (xrf1);
	v34 =	vmax.f32 v37, v56;
	(xrf1) =	vsort.ascd.msk.f32 $0xffff, v35, v35  }
0x97: {  	v60 =	vld [tilespmem:s10+$0x2200];
	v61, _, _ =	vpop (xrf1);
	(xrf1) =	vsort.ascd.msk.f32 $0xffff, v34, v34  }
0x98: {  	v62 =	vld [tilespmem:s10+$0x2280];
	v38, _, _ =	vpop (xrf1);
	(xrf1) =	vsort.ascd.msk.f32 $0xffff, v54, v54  }
0x99: {  	v63 =	vld [tilespmem:s10+$0x2300];
	v37, _, _ =	vpop (xrf1);
	(xrf1) =	vsort.ascd.msk.f32 $0xffff, v55, v55  }
0x9a: {  	v39 =	vld [tilespmem:s10+$0x2380];
	(xrf1) =	vsort.ascd.msk.f32 $0xffff, v57, v57;
	v36, _, _ =	vpop (xrf1)  }
0x9b: {  	(xrf1) =	vsort.ascd.msk.f32 $0xffff, v58, v58;
	v35, _, _ =	vpop (xrf1)  }
0x9c: {  	(xrf1) =	vsort.ascd.msk.f32 $0xffff, v60, v60;
	v34, _, _ =	vpop (xrf1)  }
0x9d: {  	v40 =	vperm.xlane v59, v0;
	(xrf1) =	vsort.ascd.msk.f32 $0xffff, v62, v62;
	v33, _, _ =	vpop (xrf1)  }
0x9e: {  	s10 =	simm.s32 $0x40;
	v41 =	vperm.xlane v61, v0;
	(xrf1) =	vsort.ascd.msk.f32 $0xffff, v63, v63;
	v42, _, _ =	vpop (xrf1)  }
.LBB2_4:
0x9f: {  	p0 =	sne.s32 s10, $0x3F0;
	(xrf1) =	vsort.ascd.msk.f32 $0xffff, v39, v39;
	v42 =	vmax.f32 v42, v40;
	v43 =	vperm.xlane v38, v0;
	v40, _, _ =	vpop (xrf1)  }
0xa0: {  	s9 =	sadd.s32 $0x80, s9;
	v44 =	vperm.xlane v37, v0;
	v40 =	vmax.f32 v40, v41;
	(xrf1) =	vsort.ascd.msk.f32 $0xffff, v42, v42;
	v39, _, _ =	vpop (xrf1)  }
0xa1: {  	s11 =	sand.u32 $0x70, s10;
	s12 =	sand.u32 $0x1C00, s9;
	v42 =	vperm.xlane v36, v0;
	v41 =	vmax.f32 v39, v43;
	(xrf1) =	vsort.ascd.msk.f32 $0xffff, v40, v40;
	v39, _, _ =	vpop (xrf1)  }
0xa2: {  	s11 =	sor.u32 s11, s12;
	v43 =	vperm.xlane v35, v0;
	v40 =	vmax.f32 v39, v44;
	(xrf1) =	vsort.ascd.msk.f32 $0xffff, v41, v41;
	v38, _, _ =	vpop (xrf1)  }
0xa3: {  	v34 =	vperm.xlane v34, v0;
	v39 =	vld [tilespmem:s11+$0x2000];
	v38 =	vmax.f32 v38, v42;
	(xrf1) =	vsort.ascd.msk.f32 $0xffff, v40, v40;
	v37, _, _ =	vpop (xrf1)  }
0xa4: {  	v33 =	vperm.xlane v33, v0;
	v40 =	vld [tilespmem:s11+$0x2080];
	v37 =	vmax.f32 v37, v43;
	(xrf1) =	vsort.ascd.msk.f32 $0xffff, v38, v38;
	v36, _, _ =	vpop (xrf1)  }
0xa5: {  	v41 =	vld [tilespmem:s11+$0x2100];
	v34 =	vmax.f32 v36, v34;
	(xrf1) =	vsort.ascd.msk.f32 $0xffff, v37, v37;
	v35, _, _ =	vpop (xrf1)  }
0xa6: {  	v42 =	vld [tilespmem:s11+$0x2180];
	v43, _, _ =	vpop (xrf1);
	v33 =	vmax.f32 v35, v33;
	(xrf1) =	vsort.ascd.msk.f32 $0xffff, v34, v34  }
0xa7: {  	v34 =	vld [tilespmem:s11+$0x2200];
	v44, _, _ =	vpop (xrf1);
	(xrf1) =	vsort.ascd.msk.f32 $0xffff, v33, v33  }
0xa8: {  	v33 =	vld [tilespmem:s11+$0x2280];
	(xrf1) =	vsort.ascd.msk.f32 $0xffff, v39, v39;
	v38, _, _ =	vpop (xrf1)  }
0xa9: {  	v45 =	vld [tilespmem:s11+$0x2300];
	(xrf1) =	vsort.ascd.msk.f32 $0xffff, v40, v40;
	v37, _, _ =	vpop (xrf1)  }
.Ltmp1:
0xaa: {  	v39 =	vld [tilespmem:s11+$0x2380];
	(xrf1) =	vsort.ascd.msk.f32 $0xffff, v41, v41;
	v36, _, _ =	vpop (xrf1);
	(pc) =	sbr.rel @p0 .LBB2_4-.Ltmp1, $4  }
0xab: {  	(xrf1) =	vsort.ascd.msk.f32 $0xffff, v42, v42;
	v35, _, _ =	vpop (xrf1)  }
0xac: {  	(xrf1) =	vsort.ascd.msk.f32 $0xffff, v34, v34;
	v34, _, _ =	vpop (xrf1)  }
0xad: {  	v40 =	vperm.xlane v43, v0;
	(xrf1) =	vsort.ascd.msk.f32 $0xffff, v33, v33;
	v33, _, _ =	vpop (xrf1)  }
0xae: {  	s10 =	sadd.s32 $0x10, s10;
	v41 =	vperm.xlane v44, v0;
	(xrf1) =	vsort.ascd.msk.f32 $0xffff, v45, v45;
	v42, _, _ =	vpop (xrf1)  }
0xaf: {  	(xrf1) =	vsort.ascd.msk.f32 $0xffff, v39, v39;
	v45 =	vmax.f32 v42, v40;
	v38 =	vperm.xlane v38, v0;
	v46, _, _ =	vpop (xrf1)  }
0xb0: {  	v37 =	vperm.xlane v37, v0;
	v40 =	vmax.f32 v46, v41;
	(xrf1) =	vsort.ascd.msk.f32 $0xffff, v45, v45;
	v47, _, _ =	vpop (xrf1)  }
0xb1: {  	v36 =	vperm.xlane v36, v0;
	v38 =	vmax.f32 v47, v38;
	(xrf1) =	vsort.ascd.msk.f32 $0xffff, v40, v40;
	v48, _, _ =	vpop (xrf1)  }
0xb2: {  	v35 =	vperm.xlane v35, v0;
	v37 =	vmax.f32 v48, v37;
	(xrf1) =	vsort.ascd.msk.f32 $0xffff, v38, v38;
	v49, _, _ =	vpop (xrf1)  }
0xb3: {  	v34 =	vperm.xlane v34, v0;
	v36 =	vmax.f32 v49, v36;
	(xrf1) =	vsort.ascd.msk.f32 $0xffff, v37, v37;
	v50, _, _ =	vpop (xrf1)  }
0xb4: {  	v33 =	vperm.xlane v33, v0;
	v35 =	vmax.f32 v50, v35;
	(xrf1) =	vsort.ascd.msk.f32 $0xffff, v36, v36;
	v51, _, _ =	vpop (xrf1)  }
0xb5: {  	v34 =	vmax.f32 v51, v34;
	(xrf1) =	vsort.ascd.msk.f32 $0xffff, v35, v35;
	v52, _, _ =	vpop (xrf1)  }
0xb6: {  	v53, _, _ =	vpop (xrf1);
	v33 =	vmax.f32 v52, v33;
	(xrf1) =	vsort.ascd.msk.f32 $0xffff, v34, v34  }
0xb7: {  	v54, _, _ =	vpop (xrf1);
	(xrf1) =	vsort.ascd.msk.f32 $0xffff, v33, v33  }
0xb8: {  	v55, _, _ =	vpop (xrf1)  }
0xb9: {  	v56, _, _ =	vpop (xrf1)  }
0xba: {  	v57, _, _ =	vpop (xrf1)  }
0xbb: {  	v58, _, _ =	vpop (xrf1)  }
0xbc: {  	v59, _, _ =	vpop (xrf1)  }
0xbd: {  	v36 =	vperm.xlane v53, v0;
	v60, _, _ =	vpop (xrf1)  }
0xbe: {  	v34 =	vperm.xlane v54, v0;
	v61, _, _ =	vpop (xrf1)  }
0xbf: {  	v33 =	vperm.xlane v55, v0;
	v36 =	vmax.f32 v61, v36;
	v62, _, _ =	vpop (xrf1)  }
0xc0: {  	v35 =	vperm.xlane v56, v0;
	v34 =	vmax.f32 v62, v34;
	(xrf1) =	vsort.ascd.msk.f32 $0xffff, v36, v36;
	v63, _, _ =	vpop (xrf1)  }
0xc1: {  	v41 =	vperm.xlane v57, v0;
	v33 =	vmax.f32 v63, v33;
	(xrf1) =	vsort.ascd.msk.f32 $0xffff, v34, v34;
	v42, _, _ =	vpop (xrf1)  }
0xc2: {  	v43 =	vperm.xlane v58, v0;
	v34 =	vmax.f32 v42, v35;
	(xrf1) =	vsort.ascd.msk.f32 $0xffff, v33, v33;
	v44, _, _ =	vpop (xrf1)  }
0xc3: {  	v45 =	vperm.xlane v59, v0;
	v33 =	vmax.f32 v44, v41;
	(xrf1) =	vsort.ascd.msk.f32 $0xffff, v34, v34;
	v46, _, _ =	vpop (xrf1)  }
0xc4: {  	v47 =	vperm.xlane v60, v0;
	v34 =	vmax.f32 v46, v43;
	(xrf1) =	vsort.ascd.msk.f32 $0xffff, v33, v33;
	v48, _, _ =	vpop (xrf1)  }
0xc5: {  	v33 =	vmax.f32 v48, v45;
	(xrf1) =	vsort.ascd.msk.f32 $0xffff, v34, v34;
	v49, _, _ =	vpop (xrf1)  }
0xc6: {  	v34 =	vmax.f32 v49, v47;
	(xrf1) =	vsort.ascd.msk.f32 $0xffff, v33, v33  }
0xc7: {  	(xrf1) =	vsort.ascd.msk.f32 $0xffff, v34, v34;
	_ =	sdelay $0x6  }
0xc8: {  	v50, _, _ =	vpop (xrf1)  }
0xc9: {  	v51, _, _ =	vpop (xrf1);
	[tilespmem:v9+s7+$0x0] =	vst.idx.msk vm0, v50  }
0xca: {  	v52, _, _ =	vpop (xrf1);
	[tilespmem:v10+s7+$0x0] =	vst.idx.msk vm0, v51  }
0xcb: {  	v53, _, _ =	vpop (xrf1);
	[tilespmem:v11+s7+$0x0] =	vst.idx.msk vm0, v52  }
0xcc: {  	v54, _, _ =	vpop (xrf1);
	[tilespmem:v12+s7+$0x0] =	vst.idx.msk vm0, v53  }
0xcd: {  	v55, _, _ =	vpop (xrf1);
	[tilespmem:v13+s7+$0x0] =	vst.idx.msk vm0, v54  }
0xce: {  	v56, _, _ =	vpop (xrf1);
	[tilespmem:v14+s7+$0x0] =	vst.idx.msk vm0, v55  }
0xcf: {  	v57, _, _ =	vpop (xrf1);
	[tilespmem:v15+s7+$0x0] =	vst.idx.msk vm0, v56  }
0xd0: {  	[tilespmem:v16+s7+$0x0] =	vst.idx.msk vm0, v57  }
0xd1: {  	v33 =	vld [tilespmem:$0x4000]  }
0xd2: {  	v34 =	vld [tilespmem:$0x4080]  }
0xd3: {  	v58 =	vld [tilespmem:$0x4100]  }
0xd4: {  	v59 =	vld [tilespmem:$0x4180]  }
0xd5: {  	v60 =	vld [tilespmem:$0x4200]  }
0xd6: {  	s9 =	simm.s32 $0x10;
	s10 =	simm.s32 $0x80;
	v61 =	vld [tilespmem:$0x4280];
	(xrf1) =	vsort.ascd.msk.f32 $0xffff, v33, v33  }
0xd7: {  	s9 =	sand.u32 $0x70, s9;
	s10 =	sand.u32 $0x1C00, s10;
	v62 =	vld [tilespmem:$0x4300];
	(xrf1) =	vsort.ascd.msk.f32 $0xffff, v34, v34  }
0xd8: {  	s9 =	sor.u32 s9, s10;
	v63 =	vld [tilespmem:$0x4380];
	(xrf1) =	vsort.ascd.msk.f32 $0xffff, v58, v58  }
0xd9: {  	v40 =	vld [tilespmem:s9+$0x4000];
	(xrf1) =	vsort.ascd.msk.f32 $0xffff, v59, v59  }
0xda: {  	v41 =	vld [tilespmem:s9+$0x4080];
	(xrf1) =	vsort.ascd.msk.f32 $0xffff, v60, v60  }
0xdb: {  	v42 =	vld [tilespmem:s9+$0x4100];
	(xrf1) =	vsort.ascd.msk.f32 $0xffff, v61, v61  }
0xdc: {  	v43 =	vld [tilespmem:s9+$0x4180];
	(xrf1) =	vsort.ascd.msk.f32 $0xffff, v62, v62  }
0xdd: {  	v44 =	vld [tilespmem:s9+$0x4200];
	(xrf1) =	vsort.ascd.msk.f32 $0xffff, v63, v63  }
0xde: {  	v45 =	vld [tilespmem:s9+$0x4280];
	(xrf1) =	vsort.ascd.msk.f32 $0xffff, v40, v40  }
0xdf: {  	v46 =	vld [tilespmem:s9+$0x4300];
	(xrf1) =	vsort.ascd.msk.f32 $0xffff, v41, v41  }
0xe0: {  	s29 =	simm.s32 $0x20;
	s30 =	simm.s32 $0x100;
	v47 =	vld [tilespmem:s9+$0x4380];
	(xrf1) =	vsort.ascd.msk.f32 $0xffff, v42, v42  }
0xe1: {  	s10 =	sand.u32 $0x1C00, s30;
	s9 =	sand.u32 $0x70, s29;
	(xrf1) =	vsort.ascd.msk.f32 $0xffff, v43, v43  }
0xe2: {  	s9 =	sor.u32 s9, s10;
	(xrf1) =	vsort.ascd.msk.f32 $0xffff, v44, v44  }
0xe3: {  	v48 =	vld [tilespmem:s9+$0x4000];
	(xrf1) =	vsort.ascd.msk.f32 $0xffff, v45, v45  }
0xe4: {  	v50 =	vld [tilespmem:s9+$0x4080];
	v49, _, _ =	vpop (xrf1);
	(xrf1) =	vsort.ascd.msk.f32 $0xffff, v46, v46  }
0xe5: {  	v52 =	vld [tilespmem:s9+$0x4100];
	v51, _, _ =	vpop (xrf1);
	(xrf1) =	vsort.ascd.msk.f32 $0xffff, v47, v47  }
0xe6: {  	v54 =	vld [tilespmem:s9+$0x4180];
	v53, _, _ =	vpop (xrf1)  }
0xe7: {  	v56 =	vld [tilespmem:s9+$0x4200];
	v55, _, _ =	vpop (xrf1)  }
0xe8: {  	v43 =	vld [tilespmem:s9+$0x4280];
	(xrf1) =	vsort.ascd.msk.f32 $0xffff, v48, v48;
	v57, _, _ =	vpop (xrf1)  }
0xe9: {  	v44 =	vld [tilespmem:s9+$0x4300];
	(xrf1) =	vsort.ascd.msk.f32 $0xffff, v50, v50;
	v58, _, _ =	vpop (xrf1)  }
0xea: {  	v45 =	vld [tilespmem:s9+$0x4380];
	(xrf1) =	vsort.ascd.msk.f32 $0xffff, v52, v52;
	v59, _, _ =	vpop (xrf1)  }
0xeb: {  	(xrf1) =	vsort.ascd.msk.f32 $0xffff, v54, v54;
	v37, _, _ =	vpop (xrf1)  }
0xec: {  	v60, _, _ =	vpop (xrf1);
	(xrf1) =	vsort.ascd.msk.f32 $0xffff, v56, v56  }
0xed: {  	v61, _, _ =	vpop (xrf1);
	(xrf1) =	vsort.ascd.msk.f32 $0xffff, v43, v43;
	v39 =	vperm.xlane v60, v0  }
0xee: {  	v62, _, _ =	vpop (xrf1);
	(xrf1) =	vsort.ascd.msk.f32 $0xffff, v44, v44;
	v41 =	vperm.xlane v61, v0  }
0xef: {  	v63, _, _ =	vpop (xrf1);
	(xrf1) =	vsort.ascd.msk.f32 $0xffff, v45, v45;
	v34 =	vmax.f32 v49, v39;
	v47 =	vperm.xlane v62, v0  }
0xf0: {  	s31 =	simm.s32 $0x30;
	s9 =	simm.s32 $0x180;
	v48, _, _ =	vpop (xrf1);
	v36 =	vmax.f32 v51, v41;
	v49 =	vperm.xlane v63, v0;
	(xrf1) =	vsort.ascd.msk.f32 $0xffff, v34, v34  }
0xf1: {  	s10 =	sand.u32 $0x70, s31;
	s11 =	sand.u32 $0x1C00, s9;
	v50, _, _ =	vpop (xrf1);
	v38 =	vmax.f32 v53, v47;
	v51 =	vperm.xlane v48, v0;
	(xrf1) =	vsort.ascd.msk.f32 $0xffff, v36, v36  }
0xf2: {  	s10 =	sor.u32 s10, s11;
	v52, _, _ =	vpop (xrf1);
	v40 =	vmax.f32 v55, v49;
	v34 =	vperm.xlane v50, v0;
	(xrf1) =	vsort.ascd.msk.f32 $0xffff, v38, v38  }
0xf3: {  	v54 =	vld [tilespmem:s10+$0x4000];
	v53, _, _ =	vpop (xrf1);
	v39 =	vmax.f32 v57, v51;
	v36 =	vperm.xlane v52, v0;
	(xrf1) =	vsort.ascd.msk.f32 $0xffff, v40, v40  }
0xf4: {  	v55 =	vld [tilespmem:s10+$0x4080];
	v33 =	vmax.f32 v58, v34;
	v56 =	vperm.xlane v53, v0;
	(xrf1) =	vsort.ascd.msk.f32 $0xffff, v39, v39  }
0xf5: {  	v57 =	vld [tilespmem:s10+$0x4100];
	v35 =	vmax.f32 v59, v36;
	(xrf1) =	vsort.ascd.msk.f32 $0xffff, v33, v33  }
0xf6: {  	v58 =	vld [tilespmem:s10+$0x4180];
	v59, _, _ =	vpop (xrf1);
	v34 =	vmax.f32 v37, v56;
	(xrf1) =	vsort.ascd.msk.f32 $0xffff, v35, v35  }
0xf7: {  	v60 =	vld [tilespmem:s10+$0x4200];
	v61, _, _ =	vpop (xrf1);
	(xrf1) =	vsort.ascd.msk.f32 $0xffff, v34, v34  }
0xf8: {  	v62 =	vld [tilespmem:s10+$0x4280];
	v38, _, _ =	vpop (xrf1);
	(xrf1) =	vsort.ascd.msk.f32 $0xffff, v54, v54  }
0xf9: {  	v63 =	vld [tilespmem:s10+$0x4300];
	v37, _, _ =	vpop (xrf1);
	(xrf1) =	vsort.ascd.msk.f32 $0xffff, v55, v55  }
0xfa: {  	v39 =	vld [tilespmem:s10+$0x4380];
	(xrf1) =	vsort.ascd.msk.f32 $0xffff, v57, v57;
	v36, _, _ =	vpop (xrf1)  }
0xfb: {  	(xrf1) =	vsort.ascd.msk.f32 $0xffff, v58, v58;
	v35, _, _ =	vpop (xrf1)  }
0xfc: {  	(xrf1) =	vsort.ascd.msk.f32 $0xffff, v60, v60;
	v34, _, _ =	vpop (xrf1)  }
0xfd: {  	v40 =	vperm.xlane v59, v0;
	(xrf1) =	vsort.ascd.msk.f32 $0xffff, v62, v62;
	v33, _, _ =	vpop (xrf1)  }
0xfe: {  	s10 =	simm.s32 $0x40;
	v41 =	vperm.xlane v61, v0;
	(xrf1) =	vsort.ascd.msk.f32 $0xffff, v63, v63;
	v42, _, _ =	vpop (xrf1)  }
.LBB2_6:
0xff: {  	p0 =	sne.s32 s10, $0x3F0;
	(xrf1) =	vsort.ascd.msk.f32 $0xffff, v39, v39;
	v42 =	vmax.f32 v42, v40;
	v43 =	vperm.xlane v38, v0;
	v40, _, _ =	vpop (xrf1)  }
0x100: {  	s9 =	sadd.s32 $0x80, s9;
	v44 =	vperm.xlane v37, v0;
	v40 =	vmax.f32 v40, v41;
	(xrf1) =	vsort.ascd.msk.f32 $0xffff, v42, v42;
	v39, _, _ =	vpop (xrf1)  }
0x101: {  	s11 =	sand.u32 $0x70, s10;
	s12 =	sand.u32 $0x1C00, s9;
	v42 =	vperm.xlane v36, v0;
	v41 =	vmax.f32 v39, v43;
	(xrf1) =	vsort.ascd.msk.f32 $0xffff, v40, v40;
	v39, _, _ =	vpop (xrf1)  }
0x102: {  	s11 =	sor.u32 s11, s12;
	v43 =	vperm.xlane v35, v0;
	v40 =	vmax.f32 v39, v44;
	(xrf1) =	vsort.ascd.msk.f32 $0xffff, v41, v41;
	v38, _, _ =	vpop (xrf1)  }
0x103: {  	v34 =	vperm.xlane v34, v0;
	v39 =	vld [tilespmem:s11+$0x4000];
	v38 =	vmax.f32 v38, v42;
	(xrf1) =	vsort.ascd.msk.f32 $0xffff, v40, v40;
	v37, _, _ =	vpop (xrf1)  }
0x104: {  	v33 =	vperm.xlane v33, v0;
	v40 =	vld [tilespmem:s11+$0x4080];
	v37 =	vmax.f32 v37, v43;
	(xrf1) =	vsort.ascd.msk.f32 $0xffff, v38, v38;
	v36, _, _ =	vpop (xrf1)  }
0x105: {  	v41 =	vld [tilespmem:s11+$0x4100];
	v34 =	vmax.f32 v36, v34;
	(xrf1) =	vsort.ascd.msk.f32 $0xffff, v37, v37;
	v35, _, _ =	vpop (xrf1)  }
0x106: {  	v42 =	vld [tilespmem:s11+$0x4180];
	v43, _, _ =	vpop (xrf1);
	v33 =	vmax.f32 v35, v33;
	(xrf1) =	vsort.ascd.msk.f32 $0xffff, v34, v34  }
0x107: {  	v34 =	vld [tilespmem:s11+$0x4200];
	v44, _, _ =	vpop (xrf1);
	(xrf1) =	vsort.ascd.msk.f32 $0xffff, v33, v33  }
0x108: {  	v33 =	vld [tilespmem:s11+$0x4280];
	(xrf1) =	vsort.ascd.msk.f32 $0xffff, v39, v39;
	v38, _, _ =	vpop (xrf1)  }
0x109: {  	v45 =	vld [tilespmem:s11+$0x4300];
	(xrf1) =	vsort.ascd.msk.f32 $0xffff, v40, v40;
	v37, _, _ =	vpop (xrf1)  }
.Ltmp2:
0x10a: {  	v39 =	vld [tilespmem:s11+$0x4380];
	(xrf1) =	vsort.ascd.msk.f32 $0xffff, v41, v41;
	v36, _, _ =	vpop (xrf1);
	(pc) =	sbr.rel @p0 .LBB2_6-.Ltmp2, $4  }
0x10b: {  	(xrf1) =	vsort.ascd.msk.f32 $0xffff, v42, v42;
	v35, _, _ =	vpop (xrf1)  }
0x10c: {  	(xrf1) =	vsort.ascd.msk.f32 $0xffff, v34, v34;
	v34, _, _ =	vpop (xrf1)  }
0x10d: {  	v40 =	vperm.xlane v43, v0;
	(xrf1) =	vsort.ascd.msk.f32 $0xffff, v33, v33;
	v33, _, _ =	vpop (xrf1)  }
0x10e: {  	s10 =	sadd.s32 $0x10, s10;
	v41 =	vperm.xlane v44, v0;
	(xrf1) =	vsort.ascd.msk.f32 $0xffff, v45, v45;
	v42, _, _ =	vpop (xrf1)  }
0x10f: {  	(xrf1) =	vsort.ascd.msk.f32 $0xffff, v39, v39;
	v45 =	vmax.f32 v42, v40;
	v38 =	vperm.xlane v38, v0;
	v46, _, _ =	vpop (xrf1)  }
0x110: {  	v37 =	vperm.xlane v37, v0;
	v40 =	vmax.f32 v46, v41;
	(xrf1) =	vsort.ascd.msk.f32 $0xffff, v45, v45;
	v47, _, _ =	vpop (xrf1)  }
0x111: {  	v36 =	vperm.xlane v36, v0;
	v38 =	vmax.f32 v47, v38;
	(xrf1) =	vsort.ascd.msk.f32 $0xffff, v40, v40;
	v48, _, _ =	vpop (xrf1)  }
0x112: {  	v35 =	vperm.xlane v35, v0;
	v37 =	vmax.f32 v48, v37;
	(xrf1) =	vsort.ascd.msk.f32 $0xffff, v38, v38;
	v49, _, _ =	vpop (xrf1)  }
0x113: {  	v34 =	vperm.xlane v34, v0;
	v36 =	vmax.f32 v49, v36;
	(xrf1) =	vsort.ascd.msk.f32 $0xffff, v37, v37;
	v50, _, _ =	vpop (xrf1)  }
0x114: {  	v33 =	vperm.xlane v33, v0;
	v35 =	vmax.f32 v50, v35;
	(xrf1) =	vsort.ascd.msk.f32 $0xffff, v36, v36;
	v51, _, _ =	vpop (xrf1)  }
0x115: {  	v34 =	vmax.f32 v51, v34;
	(xrf1) =	vsort.ascd.msk.f32 $0xffff, v35, v35;
	v52, _, _ =	vpop (xrf1)  }
0x116: {  	v53, _, _ =	vpop (xrf1);
	v33 =	vmax.f32 v52, v33;
	(xrf1) =	vsort.ascd.msk.f32 $0xffff, v34, v34  }
0x117: {  	v54, _, _ =	vpop (xrf1);
	(xrf1) =	vsort.ascd.msk.f32 $0xffff, v33, v33  }
0x118: {  	v55, _, _ =	vpop (xrf1)  }
0x119: {  	v56, _, _ =	vpop (xrf1)  }
0x11a: {  	v57, _, _ =	vpop (xrf1)  }
0x11b: {  	v58, _, _ =	vpop (xrf1)  }
0x11c: {  	v59, _, _ =	vpop (xrf1)  }
0x11d: {  	v36 =	vperm.xlane v53, v0;
	v60, _, _ =	vpop (xrf1)  }
0x11e: {  	v34 =	vperm.xlane v54, v0;
	v61, _, _ =	vpop (xrf1)  }
0x11f: {  	v33 =	vperm.xlane v55, v0;
	v36 =	vmax.f32 v61, v36;
	v62, _, _ =	vpop (xrf1)  }
0x120: {  	v35 =	vperm.xlane v56, v0;
	v34 =	vmax.f32 v62, v34;
	(xrf1) =	vsort.ascd.msk.f32 $0xffff, v36, v36;
	v63, _, _ =	vpop (xrf1)  }
0x121: {  	v41 =	vperm.xlane v57, v0;
	v33 =	vmax.f32 v63, v33;
	(xrf1) =	vsort.ascd.msk.f32 $0xffff, v34, v34;
	v42, _, _ =	vpop (xrf1)  }
0x122: {  	v43 =	vperm.xlane v58, v0;
	v34 =	vmax.f32 v42, v35;
	(xrf1) =	vsort.ascd.msk.f32 $0xffff, v33, v33;
	v44, _, _ =	vpop (xrf1)  }
0x123: {  	v45 =	vperm.xlane v59, v0;
	v33 =	vmax.f32 v44, v41;
	(xrf1) =	vsort.ascd.msk.f32 $0xffff, v34, v34;
	v46, _, _ =	vpop (xrf1)  }
0x124: {  	v47 =	vperm.xlane v60, v0;
	v34 =	vmax.f32 v46, v43;
	(xrf1) =	vsort.ascd.msk.f32 $0xffff, v33, v33;
	v48, _, _ =	vpop (xrf1)  }
0x125: {  	v33 =	vmax.f32 v48, v45;
	(xrf1) =	vsort.ascd.msk.f32 $0xffff, v34, v34;
	v49, _, _ =	vpop (xrf1)  }
0x126: {  	v34 =	vmax.f32 v49, v47;
	(xrf1) =	vsort.ascd.msk.f32 $0xffff, v33, v33  }
0x127: {  	(xrf1) =	vsort.ascd.msk.f32 $0xffff, v34, v34;
	_ =	sdelay $0x6  }
0x128: {  	v50, _, _ =	vpop (xrf1)  }
0x129: {  	v51, _, _ =	vpop (xrf1);
	[tilespmem:v17+s7+$0x0] =	vst.idx.msk vm0, v50  }
0x12a: {  	v52, _, _ =	vpop (xrf1);
	[tilespmem:v18+s7+$0x0] =	vst.idx.msk vm0, v51  }
0x12b: {  	v53, _, _ =	vpop (xrf1);
	[tilespmem:v19+s7+$0x0] =	vst.idx.msk vm0, v52  }
0x12c: {  	v54, _, _ =	vpop (xrf1);
	[tilespmem:v20+s7+$0x0] =	vst.idx.msk vm0, v53  }
0x12d: {  	v55, _, _ =	vpop (xrf1);
	[tilespmem:v21+s7+$0x0] =	vst.idx.msk vm0, v54  }
0x12e: {  	v56, _, _ =	vpop (xrf1);
	[tilespmem:v22+s7+$0x0] =	vst.idx.msk vm0, v55  }
0x12f: {  	v57, _, _ =	vpop (xrf1);
	[tilespmem:v23+s7+$0x0] =	vst.idx.msk vm0, v56  }
0x130: {  	[tilespmem:v24+s7+$0x0] =	vst.idx.msk vm0, v57  }
0x131: {  	v33 =	vld [tilespmem:$0x6000]  }
0x132: {  	v34 =	vld [tilespmem:$0x6080]  }
0x133: {  	v58 =	vld [tilespmem:$0x6100]  }
0x134: {  	v59 =	vld [tilespmem:$0x6180]  }
0x135: {  	v60 =	vld [tilespmem:$0x6200]  }
0x136: {  	s9 =	simm.s32 $0x10;
	s10 =	simm.s32 $0x80;
	v61 =	vld [tilespmem:$0x6280];
	(xrf1) =	vsort.ascd.msk.f32 $0xffff, v33, v33  }
0x137: {  	s9 =	sand.u32 $0x70, s9;
	s10 =	sand.u32 $0x1C00, s10;
	v62 =	vld [tilespmem:$0x6300];
	(xrf1) =	vsort.ascd.msk.f32 $0xffff, v34, v34  }
0x138: {  	s9 =	sor.u32 s9, s10;
	v63 =	vld [tilespmem:$0x6380];
	(xrf1) =	vsort.ascd.msk.f32 $0xffff, v58, v58  }
0x139: {  	v40 =	vld [tilespmem:s9+$0x6000];
	(xrf1) =	vsort.ascd.msk.f32 $0xffff, v59, v59  }
0x13a: {  	v41 =	vld [tilespmem:s9+$0x6080];
	(xrf1) =	vsort.ascd.msk.f32 $0xffff, v60, v60  }
0x13b: {  	v42 =	vld [tilespmem:s9+$0x6100];
	(xrf1) =	vsort.ascd.msk.f32 $0xffff, v61, v61  }
0x13c: {  	v43 =	vld [tilespmem:s9+$0x6180];
	(xrf1) =	vsort.ascd.msk.f32 $0xffff, v62, v62  }
0x13d: {  	v44 =	vld [tilespmem:s9+$0x6200];
	(xrf1) =	vsort.ascd.msk.f32 $0xffff, v63, v63  }
0x13e: {  	v45 =	vld [tilespmem:s9+$0x6280];
	(xrf1) =	vsort.ascd.msk.f32 $0xffff, v40, v40  }
0x13f: {  	v46 =	vld [tilespmem:s9+$0x6300];
	(xrf1) =	vsort.ascd.msk.f32 $0xffff, v41, v41  }
0x140: {  	s29 =	simm.s32 $0x20;
	s30 =	simm.s32 $0x100;
	v47 =	vld [tilespmem:s9+$0x6380];
	(xrf1) =	vsort.ascd.msk.f32 $0xffff, v42, v42  }
0x141: {  	s10 =	sand.u32 $0x1C00, s30;
	s9 =	sand.u32 $0x70, s29;
	(xrf1) =	vsort.ascd.msk.f32 $0xffff, v43, v43  }
0x142: {  	s9 =	sor.u32 s9, s10;
	(xrf1) =	vsort.ascd.msk.f32 $0xffff, v44, v44  }
0x143: {  	v48 =	vld [tilespmem:s9+$0x6000];
	(xrf1) =	vsort.ascd.msk.f32 $0xffff, v45, v45  }
0x144: {  	v50 =	vld [tilespmem:s9+$0x6080];
	v49, _, _ =	vpop (xrf1);
	(xrf1) =	vsort.ascd.msk.f32 $0xffff, v46, v46  }
0x145: {  	v52 =	vld [tilespmem:s9+$0x6100];
	v51, _, _ =	vpop (xrf1);
	(xrf1) =	vsort.ascd.msk.f32 $0xffff, v47, v47  }
0x146: {  	v54 =	vld [tilespmem:s9+$0x6180];
	v53, _, _ =	vpop (xrf1)  }
0x147: {  	v56 =	vld [tilespmem:s9+$0x6200];
	v55, _, _ =	vpop (xrf1)  }
0x148: {  	v43 =	vld [tilespmem:s9+$0x6280];
	(xrf1) =	vsort.ascd.msk.f32 $0xffff, v48, v48;
	v57, _, _ =	vpop (xrf1)  }
0x149: {  	v44 =	vld [tilespmem:s9+$0x6300];
	(xrf1) =	vsort.ascd.msk.f32 $0xffff, v50, v50;
	v58, _, _ =	vpop (xrf1)  }
0x14a: {  	v45 =	vld [tilespmem:s9+$0x6380];
	(xrf1) =	vsort.ascd.msk.f32 $0xffff, v52, v52;
	v59, _, _ =	vpop (xrf1)  }
0x14b: {  	(xrf1) =	vsort.ascd.msk.f32 $0xffff, v54, v54;
	v37, _, _ =	vpop (xrf1)  }
0x14c: {  	v60, _, _ =	vpop (xrf1);
	(xrf1) =	vsort.ascd.msk.f32 $0xffff, v56, v56  }
0x14d: {  	v61, _, _ =	vpop (xrf1);
	(xrf1) =	vsort.ascd.msk.f32 $0xffff, v43, v43;
	v39 =	vperm.xlane v60, v0  }
0x14e: {  	v62, _, _ =	vpop (xrf1);
	(xrf1) =	vsort.ascd.msk.f32 $0xffff, v44, v44;
	v41 =	vperm.xlane v61, v0  }
0x14f: {  	v63, _, _ =	vpop (xrf1);
	(xrf1) =	vsort.ascd.msk.f32 $0xffff, v45, v45;
	v34 =	vmax.f32 v49, v39;
	v47 =	vperm.xlane v62, v0  }
0x150: {  	s31 =	simm.s32 $0x30;
	s9 =	simm.s32 $0x180;
	v48, _, _ =	vpop (xrf1);
	v36 =	vmax.f32 v51, v41;
	v49 =	vperm.xlane v63, v0;
	(xrf1) =	vsort.ascd.msk.f32 $0xffff, v34, v34  }
0x151: {  	s10 =	sand.u32 $0x70, s31;
	s11 =	sand.u32 $0x1C00, s9;
	v50, _, _ =	vpop (xrf1);
	v38 =	vmax.f32 v53, v47;
	v51 =	vperm.xlane v48, v0;
	(xrf1) =	vsort.ascd.msk.f32 $0xffff, v36, v36  }
0x152: {  	s10 =	sor.u32 s10, s11;
	v52, _, _ =	vpop (xrf1);
	v40 =	vmax.f32 v55, v49;
	v34 =	vperm.xlane v50, v0;
	(xrf1) =	vsort.ascd.msk.f32 $0xffff, v38, v38  }
0x153: {  	v54 =	vld [tilespmem:s10+$0x6000];
	v53, _, _ =	vpop (xrf1);
	v39 =	vmax.f32 v57, v51;
	v36 =	vperm.xlane v52, v0;
	(xrf1) =	vsort.ascd.msk.f32 $0xffff, v40, v40  }
0x154: {  	v55 =	vld [tilespmem:s10+$0x6080];
	v33 =	vmax.f32 v58, v34;
	v56 =	vperm.xlane v53, v0;
	(xrf1) =	vsort.ascd.msk.f32 $0xffff, v39, v39  }
0x155: {  	v57 =	vld [tilespmem:s10+$0x6100];
	v35 =	vmax.f32 v59, v36;
	(xrf1) =	vsort.ascd.msk.f32 $0xffff, v33, v33  }
0x156: {  	v58 =	vld [tilespmem:s10+$0x6180];
	v59, _, _ =	vpop (xrf1);
	v34 =	vmax.f32 v37, v56;
	(xrf1) =	vsort.ascd.msk.f32 $0xffff, v35, v35  }
0x157: {  	v60 =	vld [tilespmem:s10+$0x6200];
	v61, _, _ =	vpop (xrf1);
	(xrf1) =	vsort.ascd.msk.f32 $0xffff, v34, v34  }
0x158: {  	v62 =	vld [tilespmem:s10+$0x6280];
	v38, _, _ =	vpop (xrf1);
	(xrf1) =	vsort.ascd.msk.f32 $0xffff, v54, v54  }
0x159: {  	v63 =	vld [tilespmem:s10+$0x6300];
	v37, _, _ =	vpop (xrf1);
	(xrf1) =	vsort.ascd.msk.f32 $0xffff, v55, v55  }
0x15a: {  	v39 =	vld [tilespmem:s10+$0x6380];
	(xrf1) =	vsort.ascd.msk.f32 $0xffff, v57, v57;
	v36, _, _ =	vpop (xrf1)  }
0x15b: {  	(xrf1) =	vsort.ascd.msk.f32 $0xffff, v58, v58;
	v35, _, _ =	vpop (xrf1)  }
0x15c: {  	(xrf1) =	vsort.ascd.msk.f32 $0xffff, v60, v60;
	v34, _, _ =	vpop (xrf1)  }
0x15d: {  	v40 =	vperm.xlane v59, v0;
	(xrf1) =	vsort.ascd.msk.f32 $0xffff, v62, v62;
	v33, _, _ =	vpop (xrf1)  }
0x15e: {  	s10 =	simm.s32 $0x40;
	v41 =	vperm.xlane v61, v0;
	(xrf1) =	vsort.ascd.msk.f32 $0xffff, v63, v63;
	v42, _, _ =	vpop (xrf1)  }
.LBB2_8:
0x15f: {  	p0 =	sne.s32 s10, $0x3F0;
	(xrf1) =	vsort.ascd.msk.f32 $0xffff, v39, v39;
	v42 =	vmax.f32 v42, v40;
	v43 =	vperm.xlane v38, v0;
	v40, _, _ =	vpop (xrf1)  }
0x160: {  	s9 =	sadd.s32 $0x80, s9;
	v44 =	vperm.xlane v37, v0;
	v40 =	vmax.f32 v40, v41;
	(xrf1) =	vsort.ascd.msk.f32 $0xffff, v42, v42;
	v39, _, _ =	vpop (xrf1)  }
0x161: {  	s11 =	sand.u32 $0x70, s10;
	s12 =	sand.u32 $0x1C00, s9;
	v42 =	vperm.xlane v36, v0;
	v41 =	vmax.f32 v39, v43;
	(xrf1) =	vsort.ascd.msk.f32 $0xffff, v40, v40;
	v39, _, _ =	vpop (xrf1)  }
0x162: {  	s11 =	sor.u32 s11, s12;
	v43 =	vperm.xlane v35, v0;
	v40 =	vmax.f32 v39, v44;
	(xrf1) =	vsort.ascd.msk.f32 $0xffff, v41, v41;
	v38, _, _ =	vpop (xrf1)  }
0x163: {  	v34 =	vperm.xlane v34, v0;
	v39 =	vld [tilespmem:s11+$0x6000];
	v38 =	vmax.f32 v38, v42;
	(xrf1) =	vsort.ascd.msk.f32 $0xffff, v40, v40;
	v37, _, _ =	vpop (xrf1)  }
0x164: {  	v33 =	vperm.xlane v33, v0;
	v40 =	vld [tilespmem:s11+$0x6080];
	v37 =	vmax.f32 v37, v43;
	(xrf1) =	vsort.ascd.msk.f32 $0xffff, v38, v38;
	v36, _, _ =	vpop (xrf1)  }
0x165: {  	v41 =	vld [tilespmem:s11+$0x6100];
	v34 =	vmax.f32 v36, v34;
	(xrf1) =	vsort.ascd.msk.f32 $0xffff, v37, v37;
	v35, _, _ =	vpop (xrf1)  }
0x166: {  	v42 =	vld [tilespmem:s11+$0x6180];
	v43, _, _ =	vpop (xrf1);
	v33 =	vmax.f32 v35, v33;
	(xrf1) =	vsort.ascd.msk.f32 $0xffff, v34, v34  }
0x167: {  	v34 =	vld [tilespmem:s11+$0x6200];
	v44, _, _ =	vpop (xrf1);
	(xrf1) =	vsort.ascd.msk.f32 $0xffff, v33, v33  }
0x168: {  	v33 =	vld [tilespmem:s11+$0x6280];
	(xrf1) =	vsort.ascd.msk.f32 $0xffff, v39, v39;
	v38, _, _ =	vpop (xrf1)  }
0x169: {  	v45 =	vld [tilespmem:s11+$0x6300];
	(xrf1) =	vsort.ascd.msk.f32 $0xffff, v40, v40;
	v37, _, _ =	vpop (xrf1)  }
.Ltmp3:
0x16a: {  	v39 =	vld [tilespmem:s11+$0x6380];
	(xrf1) =	vsort.ascd.msk.f32 $0xffff, v41, v41;
	v36, _, _ =	vpop (xrf1);
	(pc) =	sbr.rel @p0 .LBB2_8-.Ltmp3, $4  }
0x16b: {  	(xrf1) =	vsort.ascd.msk.f32 $0xffff, v42, v42;
	v35, _, _ =	vpop (xrf1)  }
0x16c: {  	(xrf1) =	vsort.ascd.msk.f32 $0xffff, v34, v34;
	v34, _, _ =	vpop (xrf1)  }
0x16d: {  	v40 =	vperm.xlane v43, v0;
	(xrf1) =	vsort.ascd.msk.f32 $0xffff, v33, v33;
	v33, _, _ =	vpop (xrf1)  }
0x16e: {  	s10 =	sadd.s32 $0x10, s10;
	v41 =	vperm.xlane v44, v0;
	(xrf1) =	vsort.ascd.msk.f32 $0xffff, v45, v45;
	v42, _, _ =	vpop (xrf1)  }
0x16f: {  	(xrf1) =	vsort.ascd.msk.f32 $0xffff, v39, v39;
	v48 =	vmax.f32 v42, v40;
	v38 =	vperm.xlane v38, v0;
	v49, _, _ =	vpop (xrf1)  }
0x170: {  	v37 =	vperm.xlane v37, v0;
	v40 =	vmax.f32 v49, v41;
	(xrf1) =	vsort.ascd.msk.f32 $0xffff, v48, v48;
	v50, _, _ =	vpop (xrf1)  }
0x171: {  	v36 =	vperm.xlane v36, v0;
	v38 =	vmax.f32 v50, v38;
	(xrf1) =	vsort.ascd.msk.f32 $0xffff, v40, v40;
	v51, _, _ =	vpop (xrf1)  }
0x172: {  	v35 =	vperm.xlane v35, v0;
	v37 =	vmax.f32 v51, v37;
	(xrf1) =	vsort.ascd.msk.f32 $0xffff, v38, v38;
	v52, _, _ =	vpop (xrf1)  }
0x173: {  	v34 =	vperm.xlane v34, v0;
	v36 =	vmax.f32 v52, v36;
	(xrf1) =	vsort.ascd.msk.f32 $0xffff, v37, v37;
	v53, _, _ =	vpop (xrf1)  }
0x174: {  	v33 =	vperm.xlane v33, v0;
	v35 =	vmax.f32 v53, v35;
	(xrf1) =	vsort.ascd.msk.f32 $0xffff, v36, v36;
	v54, _, _ =	vpop (xrf1)  }
0x175: {  	v34 =	vmax.f32 v54, v34;
	(xrf1) =	vsort.ascd.msk.f32 $0xffff, v35, v35;
	v55, _, _ =	vpop (xrf1)  }
0x176: {  	v56, _, _ =	vpop (xrf1);
	v33 =	vmax.f32 v55, v33;
	(xrf1) =	vsort.ascd.msk.f32 $0xffff, v34, v34  }
0x177: {  	v57, _, _ =	vpop (xrf1);
	(xrf1) =	vsort.ascd.msk.f32 $0xffff, v33, v33  }
0x178: {  	v58, _, _ =	vpop (xrf1)  }
0x179: {  	v59, _, _ =	vpop (xrf1)  }
0x17a: {  	v60, _, _ =	vpop (xrf1)  }
0x17b: {  	v61, _, _ =	vpop (xrf1)  }
0x17c: {  	v62, _, _ =	vpop (xrf1)  }
0x17d: {  	v36 =	vperm.xlane v56, v0;
	v63, _, _ =	vpop (xrf1)  }
0x17e: {  	v34 =	vperm.xlane v57, v0;
	v44, _, _ =	vpop (xrf1)  }
0x17f: {  	v33 =	vperm.xlane v58, v0;
	v36 =	vmax.f32 v44, v36;
	v45, _, _ =	vpop (xrf1)  }
0x180: {  	v35 =	vperm.xlane v59, v0;
	v34 =	vmax.f32 v45, v34;
	(xrf1) =	vsort.ascd.msk.f32 $0xffff, v36, v36;
	v46, _, _ =	vpop (xrf1)  }
0x181: {  	v47 =	vperm.xlane v60, v0;
	v33 =	vmax.f32 v46, v33;
	(xrf1) =	vsort.ascd.msk.f32 $0xffff, v34, v34;
	v48, _, _ =	vpop (xrf1)  }
0x182: {  	v49 =	vperm.xlane v61, v0;
	v34 =	vmax.f32 v48, v35;
	(xrf1) =	vsort.ascd.msk.f32 $0xffff, v33, v33;
	v50, _, _ =	vpop (xrf1)  }
0x183: {  	v51 =	vperm.xlane v62, v0;
	v33 =	vmax.f32 v50, v47;
	(xrf1) =	vsort.ascd.msk.f32 $0xffff, v34, v34;
	v52, _, _ =	vpop (xrf1)  }
0x184: {  	v53 =	vperm.xlane v63, v0;
	v34 =	vmax.f32 v52, v49;
	(xrf1) =	vsort.ascd.msk.f32 $0xffff, v33, v33;
	v54, _, _ =	vpop (xrf1)  }
0x185: {  	v33 =	vmax.f32 v54, v51;
	(xrf1) =	vsort.ascd.msk.f32 $0xffff, v34, v34;
	v55, _, _ =	vpop (xrf1)  }
0x186: {  	v34 =	vmax.f32 v55, v53;
	(xrf1) =	vsort.ascd.msk.f32 $0xffff, v33, v33  }
0x187: {  	(xrf1) =	vsort.ascd.msk.f32 $0xffff, v34, v34;
	_ =	sdelay $0x6  }
0x188: {  	v56, _, _ =	vpop (xrf1)  }
0x189: {  	v57, _, _ =	vpop (xrf1);
	[tilespmem:v25+s7+$0x0] =	vst.idx.msk vm0, v56  }
0x18a: {  	v58, _, _ =	vpop (xrf1);
	[tilespmem:v26+s7+$0x0] =	vst.idx.msk vm0, v57  }
0x18b: {  	v59, _, _ =	vpop (xrf1);
	[tilespmem:v27+s7+$0x0] =	vst.idx.msk vm0, v58  }
0x18c: {  	v60, _, _ =	vpop (xrf1);
	[tilespmem:v28+s7+$0x0] =	vst.idx.msk vm0, v59  }
0x18d: {  	v61, _, _ =	vpop (xrf1);
	[tilespmem:v29+s7+$0x0] =	vst.idx.msk vm0, v60  }
0x18e: {  	s8 =	sadd.s32 $0x1, s8;
	v62, _, _ =	vpop (xrf1);
	[tilespmem:v30+s7+$0x0] =	vst.idx.msk vm0, v61  }
0x18f: {  	p0 =	sne.s32 s8, s5;
	v63, _, _ =	vpop (xrf1);
	[tilespmem:v31+s7+$0x0] =	vst.idx.msk vm0, v62  }
.Ltmp4:
0x190: {  	[tilespmem:v32+s7+$0x0] =	vst.idx.msk vm0, v63;
	(pc) =	sbr.rel @p0 .LBB2_1-.Ltmp4, $4  }
0x191: {  	[hbm4b:s4+s2] =	stream.linear.scatter [tilespmem:s7], [sflag:$0x1], $0x20, $0x38;
	[tilespmem:$0x8080] =	vst v63  }
0x192: {  	_ =	swait.ge [sflag:s6], $0x20  }
0x193: {  	[sflag:s6] =	ssyncset.done $0x0  }
0x194: {  	[sflag:s6] =	ssyncadd.s32 $0xFFFFFFE0  }
0x195: {  	_ =	sfence.sel $0x180000  }
0x196: {  	[bflag:$0x0] =	sbarrier.arrive $0xFFFF  }
0x197: {  	p0 =	sne.s32 s1, $0x0;
	_ =	strace $0x90000047  }
0x198: {  	s0 =	sadd.s32 @!p0 $0x100000, s0;
	[bflag:$0x2] =	sbarrier.arrive $0xFFFF  }
0x199: {  	[sflag:s0] =	ssyncadd.tile.s32 @!p0 $0x1;
	_ =	shalt  }
.Lfunc_end2:
_tile_overlayer_lowered:
.L_overlay_start_2:
0x19a: {  	(tag) =	ssettag $0x2  }
0x19b: {  	s0 =	rddreg [dreg:$0x0];
	s2 =	stileid.u32  }
0x19c: {  	s1 =	rddreg [dreg:$0x1];
	p0 =	sne.s32 s2, $0x0  }
0x19d: {  	s3 =	rddreg [dreg:$0x2];
	[bflag:$0x3] =	sbarrier.arrive $0xFFFF;
	s2 =	simm.s32 @!p0 $0x1C01  }
0x19e: {  	[timem:s3], [sflag:s2] =	dma.local @!p0 [hbm:s0], s1  }
0x19f: {  	s0 =	simm.s32 @!p0 $0x1  }
0x1a0: {  	_ =	swait.ge @!p0 [sflag:s0], s1  }
0x1a1: {  	s1 =	ssub.s32 @!p0 $0x0, s1;
	[sflag:s0] =	ssyncset.done @!p0 $0x0  }
0x1a2: {  	[sflag:s0] =	ssyncadd.s32 @!p0 s1  }
0x1a3: {  	[bflag:$0x3] =	sbarrier.arrive $0xFFFF  }
0x1a4: {  	_ =	shalt  }

</sc_bundles>
